<compile_context>
chip_gen: v7x
topology: tpu7x:2x2x1
jax: 0.10.2.dev20260603
libtpu: 0.0.44.dev20260713+nightly
codegen_flags: <defaults>
</compile_context>

<pallas_src>
import functools

import jax
import jax.numpy as jnp
from jax import lax
from jax.experimental import pallas as pl
from jax.experimental.pallas import tpu as pltpu
from jax.experimental.pallas import tpu_sc as plsc

_B, _C, _H, _W = 4, 96, 192, 192
_HO, _WO = 384, 384
_NP = _B * _C
_HW = _H * _W
_OUT = _HO * _WO
_NHALF = 2
_HALF = _OUT // _NHALF
_CH = 12288
_NCH = _HW // _CH
_NW = 32
_ITEMS = _NP * _NHALF
_IPW = _ITEMS // _NW
_UNROLL = 8
_ZUNROLL = 16


def _make_sc_kernel():
    mesh = plsc.VectorSubcoreMesh(core_axis_name="c", subcore_axis_name="s")

    @functools.partial(
        pl.kernel,
        mesh=mesh,
        out_type=jax.ShapeDtypeStruct((_NP, _OUT), jnp.float32),
        scratch_types=[
            pltpu.VMEM((_CH,), jnp.int32),
            pltpu.VMEM((_CH,), jnp.float32),
            pltpu.VMEM((_CH,), jnp.int32),
            pltpu.VMEM((_CH,), jnp.float32),
            pltpu.VMEM((_HALF,), jnp.float32),
            pltpu.SemaphoreType.DMA,
            pltpu.SemaphoreType.DMA,
        ],
        compiler_params=pltpu.CompilerParams(needs_layout_passes=False),
    )
    def k(val_hbm, idx_hbm, out_hbm, idx_a, val_a, idx_b, val_b, out_v,
          sem_a, sem_b):
        wid = lax.axis_index("s") * 2 + lax.axis_index("c")

        def scatter_chunk(iref, vref, base):
            def vec_body(v, c2):
                off = v * (16 * _UNROLL)
                for u in range(_UNROLL):
                    iv = iref[pl.ds(off + u * 16, 16)]
                    xv = vref[pl.ds(off + u * 16, 16)]
                    rel = iv - base
                    m = plsc.bitcast(rel, jnp.uint32) < jnp.uint32(_HALF)
                    loc = jnp.where(m, rel, 0)
                    plsc.store_scatter(out_v, [loc], xv, mask=m)
                return c2

            lax.fori_loop(0, _CH // (16 * _UNROLL), vec_body, 0)

        def item_body(it, carry):
            item = wid * _IPW + it
            p = item // _NHALF
            h = item % _NHALF
            base = h * _HALF

            cpi_a = pltpu.async_copy(idx_hbm.at[p, pl.ds(0, _CH)], idx_a, sem_a)
            cpv_a = pltpu.async_copy(val_hbm.at[p, pl.ds(0, _CH)], val_a, sem_a)
            cpi_b = pltpu.async_copy(idx_hbm.at[p, pl.ds(_CH, _CH)], idx_b, sem_b)
            cpv_b = pltpu.async_copy(val_hbm.at[p, pl.ds(_CH, _CH)], val_b, sem_b)

            zeros16 = jnp.zeros((16,), jnp.float32)

            def zero_body(i, c):
                off = i * (16 * _ZUNROLL)
                for u in range(_ZUNROLL):
                    out_v[pl.ds(off + u * 16, 16)] = zeros16
                return c

            lax.fori_loop(0, _HALF // (16 * _ZUNROLL), zero_body, 0)

            cpi_a.wait()
            cpv_a.wait()
            scatter_chunk(idx_a, val_a, base)
            cpi_a2 = pltpu.async_copy(idx_hbm.at[p, pl.ds(2 * _CH, _CH)], idx_a, sem_a)
            cpv_a2 = pltpu.async_copy(val_hbm.at[p, pl.ds(2 * _CH, _CH)], val_a, sem_a)
            cpi_b.wait()
            cpv_b.wait()
            scatter_chunk(idx_b, val_b, base)
            cpi_a2.wait()
            cpv_a2.wait()
            scatter_chunk(idx_a, val_a, base)

            pltpu.sync_copy(out_v, out_hbm.at[p, pl.ds(base, _HALF)])
            return carry

        lax.fori_loop(0, _IPW, item_body, 0)

    return k


_sc_unpool = _make_sc_kernel()


def kernel(input, indices):
    vals = input.reshape(_NP, _HW)
    idx = indices.reshape(_NP, _HW)
    out = _sc_unpool(vals, idx)
    return out.reshape(_B, _C, _HO, _WO)

# --- scband reference (transcript-rebuilt; emitter-appended) ---
"""Pipeline reference for scband-max-unpool-wrapper-68796786147923 (READ-ONLY COPY).

The authoritative reference and input builder live on the scoring server;
editing this copy changes nothing except your own understanding.
"""

import jax, jax.numpy as jnp
import numpy as np

B, C, H, W = 4, 96, 192, 192
KH, KW = 2, 2
SH, SW = 2, 2
PH, PW = 0, 0
HO = (H - 1) * SH - 2 * PH + KH  # 384
WO = (W - 1) * SW - 2 * PW + KW  # 384


def setup_inputs(seed: int = 0) -> dict:
    key = jax.random.key(seed)
    k1, k2 = jax.random.split(key)
    x = jax.random.normal(k1, (B, C, H, W), dtype=jnp.float32)
    indices = jax.random.randint(k2, (B, C, H, W), 0, HO * WO, dtype=jnp.int32)
    return {"input": x, "indices": indices}


def reference(input, indices):
    # MaxUnpool2d: scatter input values into a zeroed (HO, WO) grid per (b, c),
    # at flat spatial positions given by indices.
    flat_in = input.reshape(B, C, H * W)
    flat_idx = indices.reshape(B, C, H * W)
    b_idx = jnp.arange(B)[:, None, None]
    c_idx = jnp.arange(C)[None, :, None]
    out = jnp.zeros((B, C, HO * WO), dtype=input.dtype)
    out = out.at[b_idx, c_idx, flat_idx].set(flat_in)
    return out.reshape(B, C, HO, WO)

if __name__ == "__main__":
    import jax
    _d = setup_inputs()
    print(jax.jit(kernel)(*tuple(_d.values())))

</pallas_src>

<mosaic_0001>
#map = affine_map<(d0, d1) -> (0, 0)>
module attributes {stable_mosaic.version = 14 : i64} {
  func.func @k(%arg0: i32, %arg1: i32, %arg2: memref<384x36864xf32, #tpu.memory_space<hbm>>, %arg3: memref<384x36864xi32, #tpu.memory_space<hbm>>, %arg4: memref<384x147456xf32, #tpu.memory_space<hbm>>, %arg5: memref<12288xi32, #tpu.memory_space<vmem>>, %arg6: memref<12288xf32, #tpu.memory_space<vmem>>, %arg7: memref<12288xi32, #tpu.memory_space<vmem>>, %arg8: memref<12288xf32, #tpu.memory_space<vmem>>, %arg9: memref<73728xf32, #tpu.memory_space<vmem>>, %arg10: memref<!tpu.dma_semaphore, #tpu.memory_space<semaphore_mem>>, %arg11: memref<!tpu.dma_semaphore, #tpu.memory_space<semaphore_mem>>) attributes {dimension_semantics = [#tpu.dimension_semantics<core_parallel>, #tpu.dimension_semantics<subcore_parallel>], iteration_bounds = array<i64: 2, 16>, scalar_prefetch = 0 : i64, scratch_operands = 7 : i64, tpu.core_type = #tpu.core_type<sc_vector_subcore>, window_params = [{transform_indices = #map}, {transform_indices = #map}, {transform_indices = #map}]} {
    %mul3A = arith.constant 2 : i32
    %mul3A_0 = arith.muli %arg1, %mul3A : i32
    %add3A = arith.addi %mul3A_0, %arg0 : i32
    %scan3A = arith.constant 0 : i32
    %scan3A_1 = arith.constant 0 : i32
    %scan3A_2 = arith.constant 24 : i32
    %scan3A_3 = arith.addi %scan3A_1, %scan3A_2 : i32
    %scan3A_4 = arith.constant 1 : i32
    scf.for %scan3A_6 = %scan3A_1 to %scan3A_3 step %scan3A_4  : i32 {
      %mul3A_7 = arith.constant 24 : i32
      %mul3A_8 = arith.muli %add3A, %mul3A_7 : i32
      %add3A_9 = arith.addi %mul3A_8, %scan3A_6 : i32
      %jit3A = arith.constant 2 : i32
      %div3A = arith.divsi %add3A_9, %jit3A : i32
      %sign3A = arith.constant 0 : i32
      %sign3A_10 = arith.cmpi sgt, %add3A_9, %sign3A : i32
      %sign3A_11 = arith.extui %sign3A_10 : i1 to i32
      %sign3A_12 = arith.constant 0 : i32
      %sign3A_13 = arith.cmpi slt, %add3A_9, %sign3A_12 : i32
      %sign3A_14 = arith.extui %sign3A_13 : i1 to i32
      %sign3A_15 = arith.subi %sign3A_11, %sign3A_14 : i32
      %sign3A_16 = arith.constant 0 : i32
      %sign3A_17 = arith.cmpi sgt, %jit3A, %sign3A_16 : i32
      %sign3A_18 = arith.extui %sign3A_17 : i1 to i32
      %sign3A_19 = arith.constant 0 : i32
      %sign3A_20 = arith.cmpi slt, %jit3A, %sign3A_19 : i32
      %sign3A_21 = arith.extui %sign3A_20 : i1 to i32
      %sign3A_22 = arith.subi %sign3A_18, %sign3A_21 : i32
      %ne3A = arith.cmpi ne, %sign3A_15, %sign3A_22 : i32
      %rem3A = arith.remsi %add3A_9, %jit3A : i32
      %ne3A_23 = arith.constant 0 : i32
      %ne3A_24 = arith.cmpi ne, %rem3A, %ne3A_23 : i32
      %and3A = arith.andi %ne3A, %ne3A_24 : i1
      %sub3A = arith.constant 1 : i32
      %sub3A_25 = arith.subi %div3A, %sub3A : i32
      %select_n3A = arith.select %and3A, %sub3A_25, %div3A : i32
      %jit3A_26 = arith.constant 2 : i32
      %eq3A = arith.constant 0 : i32
      %eq3A_27 = arith.cmpi eq, %jit3A_26, %eq3A : i32
      %jit3A_28 = arith.constant 1 : i32
      %select_n3A_29 = arith.select %eq3A_27, %jit3A_28, %jit3A_26 : i32
      %rem3A_30 = arith.remsi %add3A_9, %select_n3A_29 : i32
      %ne3A_31 = arith.constant 0 : i32
      %ne3A_32 = arith.cmpi ne, %rem3A_30, %ne3A_31 : i32
      %lt3A = arith.constant 0 : i32
      %lt3A_33 = arith.cmpi slt, %rem3A_30, %lt3A : i32
      %lt3A_34 = arith.constant 0 : i32
      %lt3A_35 = arith.cmpi slt, %select_n3A_29, %lt3A_34 : i32
      %ne3A_36 = arith.xori %lt3A_33, %lt3A_35 : i1
      %and3A_37 = arith.andi %ne3A_36, %ne3A_32 : i1
      %add3A_38 = arith.addi %rem3A_30, %select_n3A_29 : i32
      %select_n3A_39 = arith.select %and3A_37, %add3A_38, %rem3A_30 : i32
      %mul3A_40 = arith.constant 73728 : i32
      %mul3A_41 = arith.muli %select_n3A_39, %mul3A_40 : i32
      %dma_start3A = arith.constant 0 : i32
      %dma_start3A_42 = tpu.memref_slice %arg3[%select_n3A, %dma_start3A] : memref<384x36864xi32, #tpu.memory_space<hbm>> -> memref<1x12288xi32, #tpu.memory_space<hbm>>
      %dma_start3A_43 = tpu.memref_squeeze %dma_start3A_42 : memref<1x12288xi32, #tpu.memory_space<hbm>> -> memref<12288xi32, #tpu.memory_space<hbm>>
      %dma_start3A_44 = arith.constant 0 : i32
      %dma_start3A_45 = tpu.memref_slice %arg3[%select_n3A, %dma_start3A_44] : memref<384x36864xi32, #tpu.memory_space<hbm>> -> memref<1x12288xi32, #tpu.memory_space<hbm>>
      %dma_start3A_46 = tpu.memref_squeeze %dma_start3A_45 : memref<1x12288xi32, #tpu.memory_space<hbm>> -> memref<12288xi32, #tpu.memory_space<hbm>>
      tpu.enqueue_dma source(%dma_start3A_46 : memref<12288xi32, #tpu.memory_space<hbm>>) target(%arg5 : memref<12288xi32, #tpu.memory_space<vmem>>) target_semaphore(%arg10 : memref<!tpu.dma_semaphore, #tpu.memory_space<semaphore_mem>>)
      %dma_start3A_47 = arith.constant 0 : i32
      %dma_start3A_48 = tpu.memref_slice %arg2[%select_n3A, %dma_start3A_47] : memref<384x36864xf32, #tpu.memory_space<hbm>> -> memref<1x12288xf32, #tpu.memory_space<hbm>>
      %dma_start3A_49 = tpu.memref_squeeze %dma_start3A_48 : memref<1x12288xf32, #tpu.memory_space<hbm>> -> memref<12288xf32, #tpu.memory_space<hbm>>
      %dma_start3A_50 = arith.constant 0 : i32
      %dma_start3A_51 = tpu.memref_slice %arg2[%select_n3A, %dma_start3A_50] : memref<384x36864xf32, #tpu.memory_space<hbm>> -> memref<1x12288xf32, #tpu.memory_space<hbm>>
      %dma_start3A_52 = tpu.memref_squeeze %dma_start3A_51 : memref<1x12288xf32, #tpu.memory_space<hbm>> -> memref<12288xf32, #tpu.memory_space<hbm>>
      tpu.enqueue_dma source(%dma_start3A_52 : memref<12288xf32, #tpu.memory_space<hbm>>) target(%arg6 : memref<12288xf32, #tpu.memory_space<vmem>>) target_semaphore(%arg10 : memref<!tpu.dma_semaphore, #tpu.memory_space<semaphore_mem>>)
      %dma_start3A_53 = arith.constant 12288 : i32
      %dma_start3A_54 = tpu.memref_slice %arg3[%select_n3A, %dma_start3A_53] : memref<384x36864xi32, #tpu.memory_space<hbm>> -> memref<1x12288xi32, #tpu.memory_space<hbm>>
      %dma_start3A_55 = tpu.memref_squeeze %dma_start3A_54 : memref<1x12288xi32, #tpu.memory_space<hbm>> -> memref<12288xi32, #tpu.memory_space<hbm>>
      %dma_start3A_56 = arith.constant 12288 : i32
      %dma_start3A_57 = tpu.memref_slice %arg3[%select_n3A, %dma_start3A_56] : memref<384x36864xi32, #tpu.memory_space<hbm>> -> memref<1x12288xi32, #tpu.memory_space<hbm>>
      %dma_start3A_58 = tpu.memref_squeeze %dma_start3A_57 : memref<1x12288xi32, #tpu.memory_space<hbm>> -> memref<12288xi32, #tpu.memory_space<hbm>>
      tpu.enqueue_dma source(%dma_start3A_58 : memref<12288xi32, #tpu.memory_space<hbm>>) target(%arg7 : memref<12288xi32, #tpu.memory_space<vmem>>) target_semaphore(%arg11 : memref<!tpu.dma_semaphore, #tpu.memory_space<semaphore_mem>>)
      %dma_start3A_59 = arith.constant 12288 : i32
      %dma_start3A_60 = tpu.memref_slice %arg2[%select_n3A, %dma_start3A_59] : memref<384x36864xf32, #tpu.memory_space<hbm>> -> memref<1x12288xf32, #tpu.memory_space<hbm>>
      %dma_start3A_61 = tpu.memref_squeeze %dma_start3A_60 : memref<1x12288xf32, #tpu.memory_space<hbm>> -> memref<12288xf32, #tpu.memory_space<hbm>>
      %dma_start3A_62 = arith.constant 12288 : i32
      %dma_start3A_63 = tpu.memref_slice %arg2[%select_n3A, %dma_start3A_62] : memref<384x36864xf32, #tpu.memory_space<hbm>> -> memref<1x12288xf32, #tpu.memory_space<hbm>>
      %dma_start3A_64 = tpu.memref_squeeze %dma_start3A_63 : memref<1x12288xf32, #tpu.memory_space<hbm>> -> memref<12288xf32, #tpu.memory_space<hbm>>
      tpu.enqueue_dma source(%dma_start3A_64 : memref<12288xf32, #tpu.memory_space<hbm>>) target(%arg8 : memref<12288xf32, #tpu.memory_space<vmem>>) target_semaphore(%arg11 : memref<!tpu.dma_semaphore, #tpu.memory_space<semaphore_mem>>)
      %broadcast_in_dim3A = arith.constant 0.000000e+00 : f32
      %broadcast_in_dim3A_65 = vector.broadcast %broadcast_in_dim3A : f32 to vector<16xf32>
      %scan3A_66 = arith.constant 0 : i32
      %scan3A_67 = arith.constant 0 : i32
      %scan3A_68 = arith.constant 288 : i32
      %scan3A_69 = arith.addi %scan3A_67, %scan3A_68 : i32
      %scan3A_70 = arith.constant 1 : i32
      scf.for %scan3A_137 = %scan3A_67 to %scan3A_69 step %scan3A_70  : i32 {
        %mul3A_138 = arith.constant 256 : i32
        %mul3A_139 = arith.muli %scan3A_137, %mul3A_138 : i32
        %add3A_140 = arith.constant 0 : i32
        %add3A_141 = arith.addi %mul3A_139, %add3A_140 : i32
        %swap3A = arith.index_cast %add3A_141 : i32 to index
        %swap3A_142 = tpu.vector_load %arg9[%swap3A] {strides = array<i32>} : memref<73728xf32, #tpu.memory_space<vmem>>, vector<16xf32>,
        tpu.vector_store %arg9[%swap3A], %broadcast_in_dim3A_65 {strides = array<i32>} : memref<73728xf32, #tpu.memory_space<vmem>>, vector<16xf32>,
        %add3A_143 = arith.constant 16 : i32
        %add3A_144 = arith.addi %mul3A_139, %add3A_143 : i32
        %swap3A_145 = arith.index_cast %add3A_144 : i32 to index
        %swap3A_146 = tpu.vector_load %arg9[%swap3A_145] {strides = array<i32>} : memref<73728xf32, #tpu.memory_space<vmem>>, vector<16xf32>,
        tpu.vector_store %arg9[%swap3A_145], %broadcast_in_dim3A_65 {strides = array<i32>} : memref<73728xf32, #tpu.memory_space<vmem>>, vector<16xf32>,
        %add3A_147 = arith.constant 32 : i32
        %add3A_148 = arith.addi %mul3A_139, %add3A_147 : i32
        %swap3A_149 = arith.index_cast %add3A_148 : i32 to index
        %swap3A_150 = tpu.vector_load %arg9[%swap3A_149] {strides = array<i32>} : memref<73728xf32, #tpu.memory_space<vmem>>, vector<16xf32>,
        tpu.vector_store %arg9[%swap3A_149], %broadcast_in_dim3A_65 {strides = array<i32>} : memref<73728xf32, #tpu.memory_space<vmem>>, vector<16xf32>,
        %add3A_151 = arith.constant 48 : i32
        %add3A_152 = arith.addi %mul3A_139, %add3A_151 : i32
        %swap3A_153 = arith.index_cast %add3A_152 : i32 to index
        %swap3A_154 = tpu.vector_load %arg9[%swap3A_153] {strides = array<i32>} : memref<73728xf32, #tpu.memory_space<vmem>>, vector<16xf32>,
        tpu.vector_store %arg9[%swap3A_153], %broadcast_in_dim3A_65 {strides = array<i32>} : memref<73728xf32, #tpu.memory_space<vmem>>, vector<16xf32>,
        %add3A_155 = arith.constant 64 : i32
        %add3A_156 = arith.addi %mul3A_139, %add3A_155 : i32
        %swap3A_157 = arith.index_cast %add3A_156 : i32 to index
        %swap3A_158 = tpu.vector_load %arg9[%swap3A_157] {strides = array<i32>} : memref<73728xf32, #tpu.memory_space<vmem>>, vector<16xf32>,
        tpu.vector_store %arg9[%swap3A_157], %broadcast_in_dim3A_65 {strides = array<i32>} : memref<73728xf32, #tpu.memory_space<vmem>>, vector<16xf32>,
        %add3A_159 = arith.constant 80 : i32
        %add3A_160 = arith.addi %mul3A_139, %add3A_159 : i32
        %swap3A_161 = arith.index_cast %add3A_160 : i32 to index
        %swap3A_162 = tpu.vector_load %arg9[%swap3A_161] {strides = array<i32>} : memref<73728xf32, #tpu.memory_space<vmem>>, vector<16xf32>,
        tpu.vector_store %arg9[%swap3A_161], %broadcast_in_dim3A_65 {strides = array<i32>} : memref<73728xf32, #tpu.memory_space<vmem>>, vector<16xf32>,
        %add3A_163 = arith.constant 96 : i32
        %add3A_164 = arith.addi %mul3A_139, %add3A_163 : i32
        %swap3A_165 = arith.index_cast %add3A_164 : i32 to index
        %swap3A_166 = tpu.vector_load %arg9[%swap3A_165] {strides = array<i32>} : memref<73728xf32, #tpu.memory_space<vmem>>, vector<16xf32>,
        tpu.vector_store %arg9[%swap3A_165], %broadcast_in_dim3A_65 {strides = array<i32>} : memref<73728xf32, #tpu.memory_space<vmem>>, vector<16xf32>,
        %add3A_167 = arith.constant 112 : i32
        %add3A_168 = arith.addi %mul3A_139, %add3A_167 : i32
        %swap3A_169 = arith.index_cast %add3A_168 : i32 to index
        %swap3A_170 = tpu.vector_load %arg9[%swap3A_169] {strides = array<i32>} : memref<73728xf32, #tpu.memory_space<vmem>>, vector<16xf32>,
        tpu.vector_store %arg9[%swap3A_169], %broadcast_in_dim3A_65 {strides = array<i32>} : memref<73728xf32, #tpu.memory_space<vmem>>, vector<16xf32>,
        %add3A_171 = arith.constant 128 : i32
        %add3A_172 = arith.addi %mul3A_139, %add3A_171 : i32
        %swap3A_173 = arith.index_cast %add3A_172 : i32 to index
        %swap3A_174 = tpu.vector_load %arg9[%swap3A_173] {strides = array<i32>} : memref<73728xf32, #tpu.memory_space<vmem>>, vector<16xf32>,
        tpu.vector_store %arg9[%swap3A_173], %broadcast_in_dim3A_65 {strides = array<i32>} : memref<73728xf32, #tpu.memory_space<vmem>>, vector<16xf32>,
        %add3A_175 = arith.constant 144 : i32
        %add3A_176 = arith.addi %mul3A_139, %add3A_175 : i32
        %swap3A_177 = arith.index_cast %add3A_176 : i32 to index
        %swap3A_178 = tpu.vector_load %arg9[%swap3A_177] {strides = array<i32>} : memref<73728xf32, #tpu.memory_space<vmem>>, vector<16xf32>,
        tpu.vector_store %arg9[%swap3A_177], %broadcast_in_dim3A_65 {strides = array<i32>} : memref<73728xf32, #tpu.memory_space<vmem>>, vector<16xf32>,
        %add3A_179 = arith.constant 160 : i32
        %add3A_180 = arith.addi %mul3A_139, %add3A_179 : i32
        %swap3A_181 = arith.index_cast %add3A_180 : i32 to index
        %swap3A_182 = tpu.vector_load %arg9[%swap3A_181] {strides = array<i32>} : memref<73728xf32, #tpu.memory_space<vmem>>, vector<16xf32>,
        tpu.vector_store %arg9[%swap3A_181], %broadcast_in_dim3A_65 {strides = array<i32>} : memref<73728xf32, #tpu.memory_space<vmem>>, vector<16xf32>,
        %add3A_183 = arith.constant 176 : i32
        %add3A_184 = arith.addi %mul3A_139, %add3A_183 : i32
        %swap3A_185 = arith.index_cast %add3A_184 : i32 to index
        %swap3A_186 = tpu.vector_load %arg9[%swap3A_185] {strides = array<i32>} : memref<73728xf32, #tpu.memory_space<vmem>>, vector<16xf32>,
        tpu.vector_store %arg9[%swap3A_185], %broadcast_in_dim3A_65 {strides = array<i32>} : memref<73728xf32, #tpu.memory_space<vmem>>, vector<16xf32>,
        %add3A_187 = arith.constant 192 : i32
        %add3A_188 = arith.addi %mul3A_139, %add3A_187 : i32
        %swap3A_189 = arith.index_cast %add3A_188 : i32 to index
        %swap3A_190 = tpu.vector_load %arg9[%swap3A_189] {strides = array<i32>} : memref<73728xf32, #tpu.memory_space<vmem>>, vector<16xf32>,
        tpu.vector_store %arg9[%swap3A_189], %broadcast_in_dim3A_65 {strides = array<i32>} : memref<73728xf32, #tpu.memory_space<vmem>>, vector<16xf32>,
        %add3A_191 = arith.constant 208 : i32
        %add3A_192 = arith.addi %mul3A_139, %add3A_191 : i32
        %swap3A_193 = arith.index_cast %add3A_192 : i32 to index
        %swap3A_194 = tpu.vector_load %arg9[%swap3A_193] {strides = array<i32>} : memref<73728xf32, #tpu.memory_space<vmem>>, vector<16xf32>,
        tpu.vector_store %arg9[%swap3A_193], %broadcast_in_dim3A_65 {strides = array<i32>} : memref<73728xf32, #tpu.memory_space<vmem>>, vector<16xf32>,
        %add3A_195 = arith.constant 224 : i32
        %add3A_196 = arith.addi %mul3A_139, %add3A_195 : i32
        %swap3A_197 = arith.index_cast %add3A_196 : i32 to index
        %swap3A_198 = tpu.vector_load %arg9[%swap3A_197] {strides = array<i32>} : memref<73728xf32, #tpu.memory_space<vmem>>, vector<16xf32>,
        tpu.vector_store %arg9[%swap3A_197], %broadcast_in_dim3A_65 {strides = array<i32>} : memref<73728xf32, #tpu.memory_space<vmem>>, vector<16xf32>,
        %add3A_199 = arith.constant 240 : i32
        %add3A_200 = arith.addi %mul3A_139, %add3A_199 : i32
        %swap3A_201 = arith.index_cast %add3A_200 : i32 to index
        %swap3A_202 = tpu.vector_load %arg9[%swap3A_201] {strides = array<i32>} : memref<73728xf32, #tpu.memory_space<vmem>>, vector<16xf32>,
        tpu.vector_store %arg9[%swap3A_201], %broadcast_in_dim3A_65 {strides = array<i32>} : memref<73728xf32, #tpu.memory_space<vmem>>, vector<16xf32>,
      }
      %scan3A_71 = arith.constant 288 : i32
      %dma_wait3A = arith.constant 0 : i32
      %dma_wait3A_72 = tpu.memref_slice %arg3[%select_n3A, %dma_wait3A] : memref<384x36864xi32, #tpu.memory_space<hbm>> -> memref<1x12288xi32, #tpu.memory_space<hbm>>
      %dma_wait3A_73 = tpu.memref_squeeze %dma_wait3A_72 : memref<1x12288xi32, #tpu.memory_space<hbm>> -> memref<12288xi32, #tpu.memory_space<hbm>>
      %dma_wait3A_74 = arith.constant 0 : i32
      %dma_wait3A_75 = tpu.memref_slice %arg3[%select_n3A, %dma_wait3A_74] : memref<384x36864xi32, #tpu.memory_space<hbm>> -> memref<1x12288xi32, #tpu.memory_space<hbm>>
      %dma_wait3A_76 = tpu.memref_squeeze %dma_wait3A_75 : memref<1x12288xi32, #tpu.memory_space<hbm>> -> memref<12288xi32, #tpu.memory_space<hbm>>
      tpu.wait_dma2 semaphore(%arg10 : memref<!tpu.dma_semaphore, #tpu.memory_space<semaphore_mem>>) src(%dma_wait3A_76 : memref<12288xi32, #tpu.memory_space<hbm>>) dst(%arg5 : memref<12288xi32, #tpu.memory_space<vmem>>)
      %dma_wait3A_77 = arith.constant 0 : i32
      %dma_wait3A_78 = tpu.memref_slice %arg2[%select_n3A, %dma_wait3A_77] : memref<384x36864xf32, #tpu.memory_space<hbm>> -> memref<1x12288xf32, #tpu.memory_space<hbm>>
      %dma_wait3A_79 = tpu.memref_squeeze %dma_wait3A_78 : memref<1x12288xf32, #tpu.memory_space<hbm>> -> memref<12288xf32, #tpu.memory_space<hbm>>
      %dma_wait3A_80 = arith.constant 0 : i32
      %dma_wait3A_81 = tpu.memref_slice %arg2[%select_n3A, %dma_wait3A_80] : memref<384x36864xf32, #tpu.memory_space<hbm>> -> memref<1x12288xf32, #tpu.memory_space<hbm>>
      %dma_wait3A_82 = tpu.memref_squeeze %dma_wait3A_81 : memref<1x12288xf32, #tpu.memory_space<hbm>> -> memref<12288xf32, #tpu.memory_space<hbm>>
      tpu.wait_dma2 semaphore(%arg10 : memref<!tpu.dma_semaphore, #tpu.memory_space<semaphore_mem>>) src(%dma_wait3A_82 : memref<12288xf32, #tpu.memory_space<hbm>>) dst(%arg6 : memref<12288xf32, #tpu.memory_space<vmem>>)
      %scan3A_83 = arith.constant 0 : i32
      %scan3A_84 = arith.constant 0 : i32
      %scan3A_85 = arith.constant 96 : i32
      %scan3A_86 = arith.addi %scan3A_84, %scan3A_85 : i32
      %scan3A_87 = arith.constant 1 : i32
      scf.for %scan3A_137 = %scan3A_84 to %scan3A_86 step %scan3A_87  : i32 {
        %mul3A_138 = arith.constant 128 : i32
        %mul3A_139 = arith.muli %scan3A_137, %mul3A_138 : i32
        %add3A_140 = arith.constant 0 : i32
        %add3A_141 = arith.addi %mul3A_139, %add3A_140 : i32
        %get3A = arith.index_cast %add3A_141 : i32 to index
        %get3A_142 = tpu.vector_load %arg5[%get3A] {strides = array<i32>} : memref<12288xi32, #tpu.memory_space<vmem>>, vector<16xi32>,
        %add3A_143 = arith.constant 0 : i32
        %add3A_144 = arith.addi %mul3A_139, %add3A_143 : i32
        %get3A_145 = arith.index_cast %add3A_144 : i32 to index
        %get3A_146 = tpu.vector_load %arg6[%get3A_145] {strides = array<i32>} : memref<12288xf32, #tpu.memory_space<vmem>>, vector<16xf32>,
        %sub3A_147 = vector.broadcast %mul3A_41 : i32 to vector<16xi32>
        %sub3A_148 = arith.subi %get3A_142, %sub3A_147 : vector<16xi32>
        %bitcast3A = vector.bitcast %sub3A_148 : vector<16xi32> to vector<16xi32>
        %lt3A_149 = arith.constant 73728 : i32
        %lt3A_150 = vector.broadcast %lt3A_149 : i32 to vector<16xi32>
        %lt3A_151 = arith.cmpi ult, %bitcast3A, %lt3A_150 : vector<16xi32>
        %jit3A_152 = arith.constant 0 : i32
        %broadcast_in_dim3A_153 = vector.broadcast %jit3A_152 : i32 to vector<16xi32>
        %select_n3A_154 = arith.select %lt3A_151, %sub3A_148, %broadcast_in_dim3A_153 : vector<16xi1>, vector<16xi32>
        tpu.vector_store_idx %arg9[%select_n3A_154], %get3A_146 masked %lt3A_151 : memref<73728xf32, #tpu.memory_space<vmem>>[vector<16xi32>], vector<16xf32>, vector<16xi1>
        %add3A_155 = arith.constant 16 : i32
        %add3A_156 = arith.addi %mul3A_139, %add3A_155 : i32
        %get3A_157 = arith.index_cast %add3A_156 : i32 to index
        %get3A_158 = tpu.vector_load %arg5[%get3A_157] {strides = array<i32>} : memref<12288xi32, #tpu.memory_space<vmem>>, vector<16xi32>,
        %add3A_159 = arith.constant 16 : i32
        %add3A_160 = arith.addi %mul3A_139, %add3A_159 : i32
        %get3A_161 = arith.index_cast %add3A_160 : i32 to index
        %get3A_162 = tpu.vector_load %arg6[%get3A_161] {strides = array<i32>} : memref<12288xf32, #tpu.memory_space<vmem>>, vector<16xf32>,
        %sub3A_163 = vector.broadcast %mul3A_41 : i32 to vector<16xi32>
        %sub3A_164 = arith.subi %get3A_158, %sub3A_163 : vector<16xi32>
        %bitcast3A_165 = vector.bitcast %sub3A_164 : vector<16xi32> to vector<16xi32>
        %lt3A_166 = arith.constant 73728 : i32
        %lt3A_167 = vector.broadcast %lt3A_166 : i32 to vector<16xi32>
        %lt3A_168 = arith.cmpi ult, %bitcast3A_165, %lt3A_167 : vector<16xi32>
        %jit3A_169 = arith.constant 0 : i32
        %broadcast_in_dim3A_170 = vector.broadcast %jit3A_169 : i32 to vector<16xi32>
        %select_n3A_171 = arith.select %lt3A_168, %sub3A_164, %broadcast_in_dim3A_170 : vector<16xi1>, vector<16xi32>
        tpu.vector_store_idx %arg9[%select_n3A_171], %get3A_162 masked %lt3A_168 : memref<73728xf32, #tpu.memory_space<vmem>>[vector<16xi32>], vector<16xf32>, vector<16xi1>
        %add3A_172 = arith.constant 32 : i32
        %add3A_173 = arith.addi %mul3A_139, %add3A_172 : i32
        %get3A_174 = arith.index_cast %add3A_173 : i32 to index
        %get3A_175 = tpu.vector_load %arg5[%get3A_174] {strides = array<i32>} : memref<12288xi32, #tpu.memory_space<vmem>>, vector<16xi32>,
        %add3A_176 = arith.constant 32 : i32
        %add3A_177 = arith.addi %mul3A_139, %add3A_176 : i32
        %get3A_178 = arith.index_cast %add3A_177 : i32 to index
        %get3A_179 = tpu.vector_load %arg6[%get3A_178] {strides = array<i32>} : memref<12288xf32, #tpu.memory_space<vmem>>, vector<16xf32>,
        %sub3A_180 = vector.broadcast %mul3A_41 : i32 to vector<16xi32>
        %sub3A_181 = arith.subi %get3A_175, %sub3A_180 : vector<16xi32>
        %bitcast3A_182 = vector.bitcast %sub3A_181 : vector<16xi32> to vector<16xi32>
        %lt3A_183 = arith.constant 73728 : i32
        %lt3A_184 = vector.broadcast %lt3A_183 : i32 to vector<16xi32>
        %lt3A_185 = arith.cmpi ult, %bitcast3A_182, %lt3A_184 : vector<16xi32>
        %jit3A_186 = arith.constant 0 : i32
        %broadcast_in_dim3A_187 = vector.broadcast %jit3A_186 : i32 to vector<16xi32>
        %select_n3A_188 = arith.select %lt3A_185, %sub3A_181, %broadcast_in_dim3A_187 : vector<16xi1>, vector<16xi32>
        tpu.vector_store_idx %arg9[%select_n3A_188], %get3A_179 masked %lt3A_185 : memref<73728xf32, #tpu.memory_space<vmem>>[vector<16xi32>], vector<16xf32>, vector<16xi1>
        %add3A_189 = arith.constant 48 : i32
        %add3A_190 = arith.addi %mul3A_139, %add3A_189 : i32
        %get3A_191 = arith.index_cast %add3A_190 : i32 to index
        %get3A_192 = tpu.vector_load %arg5[%get3A_191] {strides = array<i32>} : memref<12288xi32, #tpu.memory_space<vmem>>, vector<16xi32>,
        %add3A_193 = arith.constant 48 : i32
        %add3A_194 = arith.addi %mul3A_139, %add3A_193 : i32
        %get3A_195 = arith.index_cast %add3A_194 : i32 to index
        %get3A_196 = tpu.vector_load %arg6[%get3A_195] {strides = array<i32>} : memref<12288xf32, #tpu.memory_space<vmem>>, vector<16xf32>,
        %sub3A_197 = vector.broadcast %mul3A_41 : i32 to vector<16xi32>
        %sub3A_198 = arith.subi %get3A_192, %sub3A_197 : vector<16xi32>
        %bitcast3A_199 = vector.bitcast %sub3A_198 : vector<16xi32> to vector<16xi32>
        %lt3A_200 = arith.constant 73728 : i32
        %lt3A_201 = vector.broadcast %lt3A_200 : i32 to vector<16xi32>
        %lt3A_202 = arith.cmpi ult, %bitcast3A_199, %lt3A_201 : vector<16xi32>
        %jit3A_203 = arith.constant 0 : i32
        %broadcast_in_dim3A_204 = vector.broadcast %jit3A_203 : i32 to vector<16xi32>
        %select_n3A_205 = arith.select %lt3A_202, %sub3A_198, %broadcast_in_dim3A_204 : vector<16xi1>, vector<16xi32>
        tpu.vector_store_idx %arg9[%select_n3A_205], %get3A_196 masked %lt3A_202 : memref<73728xf32, #tpu.memory_space<vmem>>[vector<16xi32>], vector<16xf32>, vector<16xi1>
        %add3A_206 = arith.constant 64 : i32
        %add3A_207 = arith.addi %mul3A_139, %add3A_206 : i32
        %get3A_208 = arith.index_cast %add3A_207 : i32 to index
        %get3A_209 = tpu.vector_load %arg5[%get3A_208] {strides = array<i32>} : memref<12288xi32, #tpu.memory_space<vmem>>, vector<16xi32>,
        %add3A_210 = arith.constant 64 : i32
        %add3A_211 = arith.addi %mul3A_139, %add3A_210 : i32
        %get3A_212 = arith.index_cast %add3A_211 : i32 to index
        %get3A_213 = tpu.vector_load %arg6[%get3A_212] {strides = array<i32>} : memref<12288xf32, #tpu.memory_space<vmem>>, vector<16xf32>,
        %sub3A_214 = vector.broadcast %mul3A_41 : i32 to vector<16xi32>
        %sub3A_215 = arith.subi %get3A_209, %sub3A_214 : vector<16xi32>
        %bitcast3A_216 = vector.bitcast %sub3A_215 : vector<16xi32> to vector<16xi32>
        %lt3A_217 = arith.constant 73728 : i32
        %lt3A_218 = vector.broadcast %lt3A_217 : i32 to vector<16xi32>
        %lt3A_219 = arith.cmpi ult, %bitcast3A_216, %lt3A_218 : vector<16xi32>
        %jit3A_220 = arith.constant 0 : i32
        %broadcast_in_dim3A_221 = vector.broadcast %jit3A_220 : i32 to vector<16xi32>
        %select_n3A_222 = arith.select %lt3A_219, %sub3A_215, %broadcast_in_dim3A_221 : vector<16xi1>, vector<16xi32>
        tpu.vector_store_idx %arg9[%select_n3A_222], %get3A_213 masked %lt3A_219 : memref<73728xf32, #tpu.memory_space<vmem>>[vector<16xi32>], vector<16xf32>, vector<16xi1>
        %add3A_223 = arith.constant 80 : i32
        %add3A_224 = arith.addi %mul3A_139, %add3A_223 : i32
        %get3A_225 = arith.index_cast %add3A_224 : i32 to index
        %get3A_226 = tpu.vector_load %arg5[%get3A_225] {strides = array<i32>} : memref<12288xi32, #tpu.memory_space<vmem>>, vector<16xi32>,
        %add3A_227 = arith.constant 80 : i32
        %add3A_228 = arith.addi %mul3A_139, %add3A_227 : i32
        %get3A_229 = arith.index_cast %add3A_228 : i32 to index
        %get3A_230 = tpu.vector_load %arg6[%get3A_229] {strides = array<i32>} : memref<12288xf32, #tpu.memory_space<vmem>>, vector<16xf32>,
        %sub3A_231 = vector.broadcast %mul3A_41 : i32 to vector<16xi32>
        %sub3A_232 = arith.subi %get3A_226, %sub3A_231 : vector<16xi32>
        %bitcast3A_233 = vector.bitcast %sub3A_232 : vector<16xi32> to vector<16xi32>
        %lt3A_234 = arith.constant 73728 : i32
        %lt3A_235 = vector.broadcast %lt3A_234 : i32 to vector<16xi32>
        %lt3A_236 = arith.cmpi ult, %bitcast3A_233, %lt3A_235 : vector<16xi32>
        %jit3A_237 = arith.constant 0 : i32
        %broadcast_in_dim3A_238 = vector.broadcast %jit3A_237 : i32 to vector<16xi32>
        %select_n3A_239 = arith.select %lt3A_236, %sub3A_232, %broadcast_in_dim3A_238 : vector<16xi1>, vector<16xi32>
        tpu.vector_store_idx %arg9[%select_n3A_239], %get3A_230 masked %lt3A_236 : memref<73728xf32, #tpu.memory_space<vmem>>[vector<16xi32>], vector<16xf32>, vector<16xi1>
        %add3A_240 = arith.constant 96 : i32
        %add3A_241 = arith.addi %mul3A_139, %add3A_240 : i32
        %get3A_242 = arith.index_cast %add3A_241 : i32 to index
        %get3A_243 = tpu.vector_load %arg5[%get3A_242] {strides = array<i32>} : memref<12288xi32, #tpu.memory_space<vmem>>, vector<16xi32>,
        %add3A_244 = arith.constant 96 : i32
        %add3A_245 = arith.addi %mul3A_139, %add3A_244 : i32
        %get3A_246 = arith.index_cast %add3A_245 : i32 to index
        %get3A_247 = tpu.vector_load %arg6[%get3A_246] {strides = array<i32>} : memref<12288xf32, #tpu.memory_space<vmem>>, vector<16xf32>,
        %sub3A_248 = vector.broadcast %mul3A_41 : i32 to vector<16xi32>
        %sub3A_249 = arith.subi %get3A_243, %sub3A_248 : vector<16xi32>
        %bitcast3A_250 = vector.bitcast %sub3A_249 : vector<16xi32> to vector<16xi32>
        %lt3A_251 = arith.constant 73728 : i32
        %lt3A_252 = vector.broadcast %lt3A_251 : i32 to vector<16xi32>
        %lt3A_253 = arith.cmpi ult, %bitcast3A_250, %lt3A_252 : vector<16xi32>
        %jit3A_254 = arith.constant 0 : i32
        %broadcast_in_dim3A_255 = vector.broadcast %jit3A_254 : i32 to vector<16xi32>
        %select_n3A_256 = arith.select %lt3A_253, %sub3A_249, %broadcast_in_dim3A_255 : vector<16xi1>, vector<16xi32>
        tpu.vector_store_idx %arg9[%select_n3A_256], %get3A_247 masked %lt3A_253 : memref<73728xf32, #tpu.memory_space<vmem>>[vector<16xi32>], vector<16xf32>, vector<16xi1>
        %add3A_257 = arith.constant 112 : i32
        %add3A_258 = arith.addi %mul3A_139, %add3A_257 : i32
        %get3A_259 = arith.index_cast %add3A_258 : i32 to index
        %get3A_260 = tpu.vector_load %arg5[%get3A_259] {strides = array<i32>} : memref<12288xi32, #tpu.memory_space<vmem>>, vector<16xi32>,
        %add3A_261 = arith.constant 112 : i32
        %add3A_262 = arith.addi %mul3A_139, %add3A_261 : i32
        %get3A_263 = arith.index_cast %add3A_262 : i32 to index
        %get3A_264 = tpu.vector_load %arg6[%get3A_263] {strides = array<i32>} : memref<12288xf32, #tpu.memory_space<vmem>>, vector<16xf32>,
        %sub3A_265 = vector.broadcast %mul3A_41 : i32 to vector<16xi32>
        %sub3A_266 = arith.subi %get3A_260, %sub3A_265 : vector<16xi32>
        %bitcast3A_267 = vector.bitcast %sub3A_266 : vector<16xi32> to vector<16xi32>
        %lt3A_268 = arith.constant 73728 : i32
        %lt3A_269 = vector.broadcast %lt3A_268 : i32 to vector<16xi32>
        %lt3A_270 = arith.cmpi ult, %bitcast3A_267, %lt3A_269 : vector<16xi32>
        %jit3A_271 = arith.constant 0 : i32
        %broadcast_in_dim3A_272 = vector.broadcast %jit3A_271 : i32 to vector<16xi32>
        %select_n3A_273 = arith.select %lt3A_270, %sub3A_266, %broadcast_in_dim3A_272 : vector<16xi1>, vector<16xi32>
        tpu.vector_store_idx %arg9[%select_n3A_273], %get3A_264 masked %lt3A_270 : memref<73728xf32, #tpu.memory_space<vmem>>[vector<16xi32>], vector<16xf32>, vector<16xi1>
      }
      %scan3A_88 = arith.constant 96 : i32
      %dma_start3A_89 = arith.constant 24576 : i32
      %dma_start3A_90 = tpu.memref_slice %arg3[%select_n3A, %dma_start3A_89] : memref<384x36864xi32, #tpu.memory_space<hbm>> -> memref<1x12288xi32, #tpu.memory_space<hbm>>
      %dma_start3A_91 = tpu.memref_squeeze %dma_start3A_90 : memref<1x12288xi32, #tpu.memory_space<hbm>> -> memref<12288xi32, #tpu.memory_space<hbm>>
      %dma_start3A_92 = arith.constant 24576 : i32
      %dma_start3A_93 = tpu.memref_slice %arg3[%select_n3A, %dma_start3A_92] : memref<384x36864xi32, #tpu.memory_space<hbm>> -> memref<1x12288xi32, #tpu.memory_space<hbm>>
      %dma_start3A_94 = tpu.memref_squeeze %dma_start3A_93 : memref<1x12288xi32, #tpu.memory_space<hbm>> -> memref<12288xi32, #tpu.memory_space<hbm>>
      tpu.enqueue_dma source(%dma_start3A_94 : memref<12288xi32, #tpu.memory_space<hbm>>) target(%arg5 : memref<12288xi32, #tpu.memory_space<vmem>>) target_semaphore(%arg10 : memref<!tpu.dma_semaphore, #tpu.memory_space<semaphore_mem>>)
      %dma_start3A_95 = arith.constant 24576 : i32
      %dma_start3A_96 = tpu.memref_slice %arg2[%select_n3A, %dma_start3A_95] : memref<384x36864xf32, #tpu.memory_space<hbm>> -> memref<1x12288xf32, #tpu.memory_space<hbm>>
      %dma_start3A_97 = tpu.memref_squeeze %dma_start3A_96 : memref<1x12288xf32, #tpu.memory_space<hbm>> -> memref<12288xf32, #tpu.memory_space<hbm>>
      %dma_start3A_98 = arith.constant 24576 : i32
      %dma_start3A_99 = tpu.memref_slice %arg2[%select_n3A, %dma_start3A_98] : memref<384x36864xf32, #tpu.memory_space<hbm>> -> memref<1x12288xf32, #tpu.memory_space<hbm>>
      %dma_start3A_100 = tpu.memref_squeeze %dma_start3A_99 : memref<1x12288xf32, #tpu.memory_space<hbm>> -> memref<12288xf32, #tpu.memory_space<hbm>>
      tpu.enqueue_dma source(%dma_start3A_100 : memref<12288xf32, #tpu.memory_space<hbm>>) target(%arg6 : memref<12288xf32, #tpu.memory_space<vmem>>) target_semaphore(%arg10 : memref<!tpu.dma_semaphore, #tpu.memory_space<semaphore_mem>>)
      %dma_wait3A_101 = arith.constant 12288 : i32
      %dma_wait3A_102 = tpu.memref_slice %arg3[%select_n3A, %dma_wait3A_101] : memref<384x36864xi32, #tpu.memory_space<hbm>> -> memref<1x12288xi32, #tpu.memory_space<hbm>>
      %dma_wait3A_103 = tpu.memref_squeeze %dma_wait3A_102 : memref<1x12288xi32, #tpu.memory_space<hbm>> -> memref<12288xi32, #tpu.memory_space<hbm>>
      %dma_wait3A_104 = arith.constant 12288 : i32
      %dma_wait3A_105 = tpu.memref_slice %arg3[%select_n3A, %dma_wait3A_104] : memref<384x36864xi32, #tpu.memory_space<hbm>> -> memref<1x12288xi32, #tpu.memory_space<hbm>>
      %dma_wait3A_106 = tpu.memref_squeeze %dma_wait3A_105 : memref<1x12288xi32, #tpu.memory_space<hbm>> -> memref<12288xi32, #tpu.memory_space<hbm>>
      tpu.wait_dma2 semaphore(%arg11 : memref<!tpu.dma_semaphore, #tpu.memory_space<semaphore_mem>>) src(%dma_wait3A_106 : memref<12288xi32, #tpu.memory_space<hbm>>) dst(%arg7 : memref<12288xi32, #tpu.memory_space<vmem>>)
      %dma_wait3A_107 = arith.constant 12288 : i32
      %dma_wait3A_108 = tpu.memref_slice %arg2[%select_n3A, %dma_wait3A_107] : memref<384x36864xf32, #tpu.memory_space<hbm>> -> memref<1x12288xf32, #tpu.memory_space<hbm>>
      %dma_wait3A_109 = tpu.memref_squeeze %dma_wait3A_108 : memref<1x12288xf32, #tpu.memory_space<hbm>> -> memref<12288xf32, #tpu.memory_space<hbm>>
      %dma_wait3A_110 = arith.constant 12288 : i32
      %dma_wait3A_111 = tpu.memref_slice %arg2[%select_n3A, %dma_wait3A_110] : memref<384x36864xf32, #tpu.memory_space<hbm>> -> memref<1x12288xf32, #tpu.memory_space<hbm>>
      %dma_wait3A_112 = tpu.memref_squeeze %dma_wait3A_111 : memref<1x12288xf32, #tpu.memory_space<hbm>> -> memref<12288xf32, #tpu.memory_space<hbm>>
      tpu.wait_dma2 semaphore(%arg11 : memref<!tpu.dma_semaphore, #tpu.memory_space<semaphore_mem>>) src(%dma_wait3A_112 : memref<12288xf32, #tpu.memory_space<hbm>>) dst(%arg8 : memref<12288xf32, #tpu.memory_space<vmem>>)
      %scan3A_113 = arith.constant 0 : i32
      %scan3A_114 = arith.constant 0 : i32
      %scan3A_115 = arith.constant 96 : i32
      %scan3A_116 = arith.addi %scan3A_114, %scan3A_115 : i32
      %scan3A_117 = arith.constant 1 : i32
      scf.for %scan3A_137 = %scan3A_114 to %scan3A_116 step %scan3A_117  : i32 {
        %mul3A_138 = arith.constant 128 : i32
        %mul3A_139 = arith.muli %scan3A_137, %mul3A_138 : i32
        %add3A_140 = arith.constant 0 : i32
        %add3A_141 = arith.addi %mul3A_139, %add3A_140 : i32
        %get3A = arith.index_cast %add3A_141 : i32 to index
        %get3A_142 = tpu.vector_load %arg7[%get3A] {strides = array<i32>} : memref<12288xi32, #tpu.memory_space<vmem>>, vector<16xi32>,
        %add3A_143 = arith.constant 0 : i32
        %add3A_144 = arith.addi %mul3A_139, %add3A_143 : i32
        %get3A_145 = arith.index_cast %add3A_144 : i32 to index
        %get3A_146 = tpu.vector_load %arg8[%get3A_145] {strides = array<i32>} : memref<12288xf32, #tpu.memory_space<vmem>>, vector<16xf32>,
        %sub3A_147 = vector.broadcast %mul3A_41 : i32 to vector<16xi32>
        %sub3A_148 = arith.subi %get3A_142, %sub3A_147 : vector<16xi32>
        %bitcast3A = vector.bitcast %sub3A_148 : vector<16xi32> to vector<16xi32>
        %lt3A_149 = arith.constant 73728 : i32
        %lt3A_150 = vector.broadcast %lt3A_149 : i32 to vector<16xi32>
        %lt3A_151 = arith.cmpi ult, %bitcast3A, %lt3A_150 : vector<16xi32>
        %jit3A_152 = arith.constant 0 : i32
        %broadcast_in_dim3A_153 = vector.broadcast %jit3A_152 : i32 to vector<16xi32>
        %select_n3A_154 = arith.select %lt3A_151, %sub3A_148, %broadcast_in_dim3A_153 : vector<16xi1>, vector<16xi32>
        tpu.vector_store_idx %arg9[%select_n3A_154], %get3A_146 masked %lt3A_151 : memref<73728xf32, #tpu.memory_space<vmem>>[vector<16xi32>], vector<16xf32>, vector<16xi1>
        %add3A_155 = arith.constant 16 : i32
        %add3A_156 = arith.addi %mul3A_139, %add3A_155 : i32
        %get3A_157 = arith.index_cast %add3A_156 : i32 to index
        %get3A_158 = tpu.vector_load %arg7[%get3A_157] {strides = array<i32>} : memref<12288xi32, #tpu.memory_space<vmem>>, vector<16xi32>,
        %add3A_159 = arith.constant 16 : i32
        %add3A_160 = arith.addi %mul3A_139, %add3A_159 : i32
        %get3A_161 = arith.index_cast %add3A_160 : i32 to index
        %get3A_162 = tpu.vector_load %arg8[%get3A_161] {strides = array<i32>} : memref<12288xf32, #tpu.memory_space<vmem>>, vector<16xf32>,
        %sub3A_163 = vector.broadcast %mul3A_41 : i32 to vector<16xi32>
        %sub3A_164 = arith.subi %get3A_158, %sub3A_163 : vector<16xi32>
        %bitcast3A_165 = vector.bitcast %sub3A_164 : vector<16xi32> to vector<16xi32>
        %lt3A_166 = arith.constant 73728 : i32
        %lt3A_167 = vector.broadcast %lt3A_166 : i32 to vector<16xi32>
        %lt3A_168 = arith.cmpi ult, %bitcast3A_165, %lt3A_167 : vector<16xi32>
        %jit3A_169 = arith.constant 0 : i32
        %broadcast_in_dim3A_170 = vector.broadcast %jit3A_169 : i32 to vector<16xi32>
        %select_n3A_171 = arith.select %lt3A_168, %sub3A_164, %broadcast_in_dim3A_170 : vector<16xi1>, vector<16xi32>
        tpu.vector_store_idx %arg9[%select_n3A_171], %get3A_162 masked %lt3A_168 : memref<73728xf32, #tpu.memory_space<vmem>>[vector<16xi32>], vector<16xf32>, vector<16xi1>
        %add3A_172 = arith.constant 32 : i32
        %add3A_173 = arith.addi %mul3A_139, %add3A_172 : i32
        %get3A_174 = arith.index_cast %add3A_173 : i32 to index
        %get3A_175 = tpu.vector_load %arg7[%get3A_174] {strides = array<i32>} : memref<12288xi32, #tpu.memory_space<vmem>>, vector<16xi32>,
        %add3A_176 = arith.constant 32 : i32
        %add3A_177 = arith.addi %mul3A_139, %add3A_176 : i32
        %get3A_178 = arith.index_cast %add3A_177 : i32 to index
        %get3A_179 = tpu.vector_load %arg8[%get3A_178] {strides = array<i32>} : memref<12288xf32, #tpu.memory_space<vmem>>, vector<16xf32>,
        %sub3A_180 = vector.broadcast %mul3A_41 : i32 to vector<16xi32>
        %sub3A_181 = arith.subi %get3A_175, %sub3A_180 : vector<16xi32>
        %bitcast3A_182 = vector.bitcast %sub3A_181 : vector<16xi32> to vector<16xi32>
        %lt3A_183 = arith.constant 73728 : i32
        %lt3A_184 = vector.broadcast %lt3A_183 : i32 to vector<16xi32>
        %lt3A_185 = arith.cmpi ult, %bitcast3A_182, %lt3A_184 : vector<16xi32>
        %jit3A_186 = arith.constant 0 : i32
        %broadcast_in_dim3A_187 = vector.broadcast %jit3A_186 : i32 to vector<16xi32>
        %select_n3A_188 = arith.select %lt3A_185, %sub3A_181, %broadcast_in_dim3A_187 : vector<16xi1>, vector<16xi32>
        tpu.vector_store_idx %arg9[%select_n3A_188], %get3A_179 masked %lt3A_185 : memref<73728xf32, #tpu.memory_space<vmem>>[vector<16xi32>], vector<16xf32>, vector<16xi1>
        %add3A_189 = arith.constant 48 : i32
        %add3A_190 = arith.addi %mul3A_139, %add3A_189 : i32
        %get3A_191 = arith.index_cast %add3A_190 : i32 to index
        %get3A_192 = tpu.vector_load %arg7[%get3A_191] {strides = array<i32>} : memref<12288xi32, #tpu.memory_space<vmem>>, vector<16xi32>,
        %add3A_193 = arith.constant 48 : i32
        %add3A_194 = arith.addi %mul3A_139, %add3A_193 : i32
        %get3A_195 = arith.index_cast %add3A_194 : i32 to index
        %get3A_196 = tpu.vector_load %arg8[%get3A_195] {strides = array<i32>} : memref<12288xf32, #tpu.memory_space<vmem>>, vector<16xf32>,
        %sub3A_197 = vector.broadcast %mul3A_41 : i32 to vector<16xi32>
        %sub3A_198 = arith.subi %get3A_192, %sub3A_197 : vector<16xi32>
        %bitcast3A_199 = vector.bitcast %sub3A_198 : vector<16xi32> to vector<16xi32>
        %lt3A_200 = arith.constant 73728 : i32
        %lt3A_201 = vector.broadcast %lt3A_200 : i32 to vector<16xi32>
        %lt3A_202 = arith.cmpi ult, %bitcast3A_199, %lt3A_201 : vector<16xi32>
        %jit3A_203 = arith.constant 0 : i32
        %broadcast_in_dim3A_204 = vector.broadcast %jit3A_203 : i32 to vector<16xi32>
        %select_n3A_205 = arith.select %lt3A_202, %sub3A_198, %broadcast_in_dim3A_204 : vector<16xi1>, vector<16xi32>
        tpu.vector_store_idx %arg9[%select_n3A_205], %get3A_196 masked %lt3A_202 : memref<73728xf32, #tpu.memory_space<vmem>>[vector<16xi32>], vector<16xf32>, vector<16xi1>
        %add3A_206 = arith.constant 64 : i32
        %add3A_207 = arith.addi %mul3A_139, %add3A_206 : i32
        %get3A_208 = arith.index_cast %add3A_207 : i32 to index
        %get3A_209 = tpu.vector_load %arg7[%get3A_208] {strides = array<i32>} : memref<12288xi32, #tpu.memory_space<vmem>>, vector<16xi32>,
        %add3A_210 = arith.constant 64 : i32
        %add3A_211 = arith.addi %mul3A_139, %add3A_210 : i32
        %get3A_212 = arith.index_cast %add3A_211 : i32 to index
        %get3A_213 = tpu.vector_load %arg8[%get3A_212] {strides = array<i32>} : memref<12288xf32, #tpu.memory_space<vmem>>, vector<16xf32>,
        %sub3A_214 = vector.broadcast %mul3A_41 : i32 to vector<16xi32>
        %sub3A_215 = arith.subi %get3A_209, %sub3A_214 : vector<16xi32>
        %bitcast3A_216 = vector.bitcast %sub3A_215 : vector<16xi32> to vector<16xi32>
        %lt3A_217 = arith.constant 73728 : i32
        %lt3A_218 = vector.broadcast %lt3A_217 : i32 to vector<16xi32>
        %lt3A_219 = arith.cmpi ult, %bitcast3A_216, %lt3A_218 : vector<16xi32>
        %jit3A_220 = arith.constant 0 : i32
        %broadcast_in_dim3A_221 = vector.broadcast %jit3A_220 : i32 to vector<16xi32>
        %select_n3A_222 = arith.select %lt3A_219, %sub3A_215, %broadcast_in_dim3A_221 : vector<16xi1>, vector<16xi32>
        tpu.vector_store_idx %arg9[%select_n3A_222], %get3A_213 masked %lt3A_219 : memref<73728xf32, #tpu.memory_space<vmem>>[vector<16xi32>], vector<16xf32>, vector<16xi1>
        %add3A_223 = arith.constant 80 : i32
        %add3A_224 = arith.addi %mul3A_139, %add3A_223 : i32
        %get3A_225 = arith.index_cast %add3A_224 : i32 to index
        %get3A_226 = tpu.vector_load %arg7[%get3A_225] {strides = array<i32>} : memref<12288xi32, #tpu.memory_space<vmem>>, vector<16xi32>,
        %add3A_227 = arith.constant 80 : i32
        %add3A_228 = arith.addi %mul3A_139, %add3A_227 : i32
        %get3A_229 = arith.index_cast %add3A_228 : i32 to index
        %get3A_230 = tpu.vector_load %arg8[%get3A_229] {strides = array<i32>} : memref<12288xf32, #tpu.memory_space<vmem>>, vector<16xf32>,
        %sub3A_231 = vector.broadcast %mul3A_41 : i32 to vector<16xi32>
        %sub3A_232 = arith.subi %get3A_226, %sub3A_231 : vector<16xi32>
        %bitcast3A_233 = vector.bitcast %sub3A_232 : vector<16xi32> to vector<16xi32>
        %lt3A_234 = arith.constant 73728 : i32
        %lt3A_235 = vector.broadcast %lt3A_234 : i32 to vector<16xi32>
        %lt3A_236 = arith.cmpi ult, %bitcast3A_233, %lt3A_235 : vector<16xi32>
        %jit3A_237 = arith.constant 0 : i32
        %broadcast_in_dim3A_238 = vector.broadcast %jit3A_237 : i32 to vector<16xi32>
        %select_n3A_239 = arith.select %lt3A_236, %sub3A_232, %broadcast_in_dim3A_238 : vector<16xi1>, vector<16xi32>
        tpu.vector_store_idx %arg9[%select_n3A_239], %get3A_230 masked %lt3A_236 : memref<73728xf32, #tpu.memory_space<vmem>>[vector<16xi32>], vector<16xf32>, vector<16xi1>
        %add3A_240 = arith.constant 96 : i32
        %add3A_241 = arith.addi %mul3A_139, %add3A_240 : i32
        %get3A_242 = arith.index_cast %add3A_241 : i32 to index
        %get3A_243 = tpu.vector_load %arg7[%get3A_242] {strides = array<i32>} : memref<12288xi32, #tpu.memory_space<vmem>>, vector<16xi32>,
        %add3A_244 = arith.constant 96 : i32
        %add3A_245 = arith.addi %mul3A_139, %add3A_244 : i32
        %get3A_246 = arith.index_cast %add3A_245 : i32 to index
        %get3A_247 = tpu.vector_load %arg8[%get3A_246] {strides = array<i32>} : memref<12288xf32, #tpu.memory_space<vmem>>, vector<16xf32>,
        %sub3A_248 = vector.broadcast %mul3A_41 : i32 to vector<16xi32>
        %sub3A_249 = arith.subi %get3A_243, %sub3A_248 : vector<16xi32>
        %bitcast3A_250 = vector.bitcast %sub3A_249 : vector<16xi32> to vector<16xi32>
        %lt3A_251 = arith.constant 73728 : i32
        %lt3A_252 = vector.broadcast %lt3A_251 : i32 to vector<16xi32>
        %lt3A_253 = arith.cmpi ult, %bitcast3A_250, %lt3A_252 : vector<16xi32>
        %jit3A_254 = arith.constant 0 : i32
        %broadcast_in_dim3A_255 = vector.broadcast %jit3A_254 : i32 to vector<16xi32>
        %select_n3A_256 = arith.select %lt3A_253, %sub3A_249, %broadcast_in_dim3A_255 : vector<16xi1>, vector<16xi32>
        tpu.vector_store_idx %arg9[%select_n3A_256], %get3A_247 masked %lt3A_253 : memref<73728xf32, #tpu.memory_space<vmem>>[vector<16xi32>], vector<16xf32>, vector<16xi1>
        %add3A_257 = arith.constant 112 : i32
        %add3A_258 = arith.addi %mul3A_139, %add3A_257 : i32
        %get3A_259 = arith.index_cast %add3A_258 : i32 to index
        %get3A_260 = tpu.vector_load %arg7[%get3A_259] {strides = array<i32>} : memref<12288xi32, #tpu.memory_space<vmem>>, vector<16xi32>,
        %add3A_261 = arith.constant 112 : i32
        %add3A_262 = arith.addi %mul3A_139, %add3A_261 : i32
        %get3A_263 = arith.index_cast %add3A_262 : i32 to index
        %get3A_264 = tpu.vector_load %arg8[%get3A_263] {strides = array<i32>} : memref<12288xf32, #tpu.memory_space<vmem>>, vector<16xf32>,
        %sub3A_265 = vector.broadcast %mul3A_41 : i32 to vector<16xi32>
        %sub3A_266 = arith.subi %get3A_260, %sub3A_265 : vector<16xi32>
        %bitcast3A_267 = vector.bitcast %sub3A_266 : vector<16xi32> to vector<16xi32>
        %lt3A_268 = arith.constant 73728 : i32
        %lt3A_269 = vector.broadcast %lt3A_268 : i32 to vector<16xi32>
        %lt3A_270 = arith.cmpi ult, %bitcast3A_267, %lt3A_269 : vector<16xi32>
        %jit3A_271 = arith.constant 0 : i32
        %broadcast_in_dim3A_272 = vector.broadcast %jit3A_271 : i32 to vector<16xi32>
        %select_n3A_273 = arith.select %lt3A_270, %sub3A_266, %broadcast_in_dim3A_272 : vector<16xi1>, vector<16xi32>
        tpu.vector_store_idx %arg9[%select_n3A_273], %get3A_264 masked %lt3A_270 : memref<73728xf32, #tpu.memory_space<vmem>>[vector<16xi32>], vector<16xf32>, vector<16xi1>
      }
      %scan3A_118 = arith.constant 96 : i32
      %dma_wait3A_119 = arith.constant 24576 : i32
      %dma_wait3A_120 = tpu.memref_slice %arg3[%select_n3A, %dma_wait3A_119] : memref<384x36864xi32, #tpu.memory_space<hbm>> -> memref<1x12288xi32, #tpu.memory_space<hbm>>
      %dma_wait3A_121 = tpu.memref_squeeze %dma_wait3A_120 : memref<1x12288xi32, #tpu.memory_space<hbm>> -> memref<12288xi32, #tpu.memory_space<hbm>>
      %dma_wait3A_122 = arith.constant 24576 : i32
      %dma_wait3A_123 = tpu.memref_slice %arg3[%select_n3A, %dma_wait3A_122] : memref<384x36864xi32, #tpu.memory_space<hbm>> -> memref<1x12288xi32, #tpu.memory_space<hbm>>
      %dma_wait3A_124 = tpu.memref_squeeze %dma_wait3A_123 : memref<1x12288xi32, #tpu.memory_space<hbm>> -> memref<12288xi32, #tpu.memory_space<hbm>>
      tpu.wait_dma2 semaphore(%arg10 : memref<!tpu.dma_semaphore, #tpu.memory_space<semaphore_mem>>) src(%dma_wait3A_124 : memref<12288xi32, #tpu.memory_space<hbm>>) dst(%arg5 : memref<12288xi32, #tpu.memory_space<vmem>>)
      %dma_wait3A_125 = arith.constant 24576 : i32
      %dma_wait3A_126 = tpu.memref_slice %arg2[%select_n3A, %dma_wait3A_125] : memref<384x36864xf32, #tpu.memory_space<hbm>> -> memref<1x12288xf32, #tpu.memory_space<hbm>>
      %dma_wait3A_127 = tpu.memref_squeeze %dma_wait3A_126 : memref<1x12288xf32, #tpu.memory_space<hbm>> -> memref<12288xf32, #tpu.memory_space<hbm>>
      %dma_wait3A_128 = arith.constant 24576 : i32
      %dma_wait3A_129 = tpu.memref_slice %arg2[%select_n3A, %dma_wait3A_128] : memref<384x36864xf32, #tpu.memory_space<hbm>> -> memref<1x12288xf32, #tpu.memory_space<hbm>>
      %dma_wait3A_130 = tpu.memref_squeeze %dma_wait3A_129 : memref<1x12288xf32, #tpu.memory_space<hbm>> -> memref<12288xf32, #tpu.memory_space<hbm>>
      tpu.wait_dma2 semaphore(%arg10 : memref<!tpu.dma_semaphore, #tpu.memory_space<semaphore_mem>>) src(%dma_wait3A_130 : memref<12288xf32, #tpu.memory_space<hbm>>) dst(%arg6 : memref<12288xf32, #tpu.memory_space<vmem>>)
      %scan3A_131 = arith.constant 0 : i32
      %scan3A_132 = arith.constant 0 : i32
      %scan3A_133 = arith.constant 96 : i32
      %scan3A_134 = arith.addi %scan3A_132, %scan3A_133 : i32
      %scan3A_135 = arith.constant 1 : i32
      scf.for %scan3A_137 = %scan3A_132 to %scan3A_134 step %scan3A_135  : i32 {
        %mul3A_138 = arith.constant 128 : i32
        %mul3A_139 = arith.muli %scan3A_137, %mul3A_138 : i32
        %add3A_140 = arith.constant 0 : i32
        %add3A_141 = arith.addi %mul3A_139, %add3A_140 : i32
        %get3A = arith.index_cast %add3A_141 : i32 to index
        %get3A_142 = tpu.vector_load %arg5[%get3A] {strides = array<i32>} : memref<12288xi32, #tpu.memory_space<vmem>>, vector<16xi32>,
        %add3A_143 = arith.constant 0 : i32
        %add3A_144 = arith.addi %mul3A_139, %add3A_143 : i32
        %get3A_145 = arith.index_cast %add3A_144 : i32 to index
        %get3A_146 = tpu.vector_load %arg6[%get3A_145] {strides = array<i32>} : memref<12288xf32, #tpu.memory_space<vmem>>, vector<16xf32>,
        %sub3A_147 = vector.broadcast %mul3A_41 : i32 to vector<16xi32>
        %sub3A_148 = arith.subi %get3A_142, %sub3A_147 : vector<16xi32>
        %bitcast3A = vector.bitcast %sub3A_148 : vector<16xi32> to vector<16xi32>
        %lt3A_149 = arith.constant 73728 : i32
        %lt3A_150 = vector.broadcast %lt3A_149 : i32 to vector<16xi32>
        %lt3A_151 = arith.cmpi ult, %bitcast3A, %lt3A_150 : vector<16xi32>
        %jit3A_152 = arith.constant 0 : i32
        %broadcast_in_dim3A_153 = vector.broadcast %jit3A_152 : i32 to vector<16xi32>
        %select_n3A_154 = arith.select %lt3A_151, %sub3A_148, %broadcast_in_dim3A_153 : vector<16xi1>, vector<16xi32>
        tpu.vector_store_idx %arg9[%select_n3A_154], %get3A_146 masked %lt3A_151 : memref<73728xf32, #tpu.memory_space<vmem>>[vector<16xi32>], vector<16xf32>, vector<16xi1>
        %add3A_155 = arith.constant 16 : i32
        %add3A_156 = arith.addi %mul3A_139, %add3A_155 : i32
        %get3A_157 = arith.index_cast %add3A_156 : i32 to index
        %get3A_158 = tpu.vector_load %arg5[%get3A_157] {strides = array<i32>} : memref<12288xi32, #tpu.memory_space<vmem>>, vector<16xi32>,
        %add3A_159 = arith.constant 16 : i32
        %add3A_160 = arith.addi %mul3A_139, %add3A_159 : i32
        %get3A_161 = arith.index_cast %add3A_160 : i32 to index
        %get3A_162 = tpu.vector_load %arg6[%get3A_161] {strides = array<i32>} : memref<12288xf32, #tpu.memory_space<vmem>>, vector<16xf32>,
        %sub3A_163 = vector.broadcast %mul3A_41 : i32 to vector<16xi32>
        %sub3A_164 = arith.subi %get3A_158, %sub3A_163 : vector<16xi32>
        %bitcast3A_165 = vector.bitcast %sub3A_164 : vector<16xi32> to vector<16xi32>
        %lt3A_166 = arith.constant 73728 : i32
        %lt3A_167 = vector.broadcast %lt3A_166 : i32 to vector<16xi32>
        %lt3A_168 = arith.cmpi ult, %bitcast3A_165, %lt3A_167 : vector<16xi32>
        %jit3A_169 = arith.constant 0 : i32
        %broadcast_in_dim3A_170 = vector.broadcast %jit3A_169 : i32 to vector<16xi32>
        %select_n3A_171 = arith.select %lt3A_168, %sub3A_164, %broadcast_in_dim3A_170 : vector<16xi1>, vector<16xi32>
        tpu.vector_store_idx %arg9[%select_n3A_171], %get3A_162 masked %lt3A_168 : memref<73728xf32, #tpu.memory_space<vmem>>[vector<16xi32>], vector<16xf32>, vector<16xi1>
        %add3A_172 = arith.constant 32 : i32
        %add3A_173 = arith.addi %mul3A_139, %add3A_172 : i32
        %get3A_174 = arith.index_cast %add3A_173 : i32 to index
        %get3A_175 = tpu.vector_load %arg5[%get3A_174] {strides = array<i32>} : memref<12288xi32, #tpu.memory_space<vmem>>, vector<16xi32>,
        %add3A_176 = arith.constant 32 : i32
        %add3A_177 = arith.addi %mul3A_139, %add3A_176 : i32
        %get3A_178 = arith.index_cast %add3A_177 : i32 to index
        %get3A_179 = tpu.vector_load %arg6[%get3A_178] {strides = array<i32>} : memref<12288xf32, #tpu.memory_space<vmem>>, vector<16xf32>,
        %sub3A_180 = vector.broadcast %mul3A_41 : i32 to vector<16xi32>
        %sub3A_181 = arith.subi %get3A_175, %sub3A_180 : vector<16xi32>
        %bitcast3A_182 = vector.bitcast %sub3A_181 : vector<16xi32> to vector<16xi32>
        %lt3A_183 = arith.constant 73728 : i32
        %lt3A_184 = vector.broadcast %lt3A_183 : i32 to vector<16xi32>
        %lt3A_185 = arith.cmpi ult, %bitcast3A_182, %lt3A_184 : vector<16xi32>
        %jit3A_186 = arith.constant 0 : i32
        %broadcast_in_dim3A_187 = vector.broadcast %jit3A_186 : i32 to vector<16xi32>
        %select_n3A_188 = arith.select %lt3A_185, %sub3A_181, %broadcast_in_dim3A_187 : vector<16xi1>, vector<16xi32>
        tpu.vector_store_idx %arg9[%select_n3A_188], %get3A_179 masked %lt3A_185 : memref<73728xf32, #tpu.memory_space<vmem>>[vector<16xi32>], vector<16xf32>, vector<16xi1>
        %add3A_189 = arith.constant 48 : i32
        %add3A_190 = arith.addi %mul3A_139, %add3A_189 : i32
        %get3A_191 = arith.index_cast %add3A_190 : i32 to index
        %get3A_192 = tpu.vector_load %arg5[%get3A_191] {strides = array<i32>} : memref<12288xi32, #tpu.memory_space<vmem>>, vector<16xi32>,
        %add3A_193 = arith.constant 48 : i32
        %add3A_194 = arith.addi %mul3A_139, %add3A_193 : i32
        %get3A_195 = arith.index_cast %add3A_194 : i32 to index
        %get3A_196 = tpu.vector_load %arg6[%get3A_195] {strides = array<i32>} : memref<12288xf32, #tpu.memory_space<vmem>>, vector<16xf32>,
        %sub3A_197 = vector.broadcast %mul3A_41 : i32 to vector<16xi32>
        %sub3A_198 = arith.subi %get3A_192, %sub3A_197 : vector<16xi32>
        %bitcast3A_199 = vector.bitcast %sub3A_198 : vector<16xi32> to vector<16xi32>
        %lt3A_200 = arith.constant 73728 : i32
        %lt3A_201 = vector.broadcast %lt3A_200 : i32 to vector<16xi32>
        %lt3A_202 = arith.cmpi ult, %bitcast3A_199, %lt3A_201 : vector<16xi32>
        %jit3A_203 = arith.constant 0 : i32
        %broadcast_in_dim3A_204 = vector.broadcast %jit3A_203 : i32 to vector<16xi32>
        %select_n3A_205 = arith.select %lt3A_202, %sub3A_198, %broadcast_in_dim3A_204 : vector<16xi1>, vector<16xi32>
        tpu.vector_store_idx %arg9[%select_n3A_205], %get3A_196 masked %lt3A_202 : memref<73728xf32, #tpu.memory_space<vmem>>[vector<16xi32>], vector<16xf32>, vector<16xi1>
        %add3A_206 = arith.constant 64 : i32
        %add3A_207 = arith.addi %mul3A_139, %add3A_206 : i32
        %get3A_208 = arith.index_cast %add3A_207 : i32 to index
        %get3A_209 = tpu.vector_load %arg5[%get3A_208] {strides = array<i32>} : memref<12288xi32, #tpu.memory_space<vmem>>, vector<16xi32>,
        %add3A_210 = arith.constant 64 : i32
        %add3A_211 = arith.addi %mul3A_139, %add3A_210 : i32
        %get3A_212 = arith.index_cast %add3A_211 : i32 to index
        %get3A_213 = tpu.vector_load %arg6[%get3A_212] {strides = array<i32>} : memref<12288xf32, #tpu.memory_space<vmem>>, vector<16xf32>,
        %sub3A_214 = vector.broadcast %mul3A_41 : i32 to vector<16xi32>
        %sub3A_215 = arith.subi %get3A_209, %sub3A_214 : vector<16xi32>
        %bitcast3A_216 = vector.bitcast %sub3A_215 : vector<16xi32> to vector<16xi32>
        %lt3A_217 = arith.constant 73728 : i32
        %lt3A_218 = vector.broadcast %lt3A_217 : i32 to vector<16xi32>
        %lt3A_219 = arith.cmpi ult, %bitcast3A_216, %lt3A_218 : vector<16xi32>
        %jit3A_220 = arith.constant 0 : i32
        %broadcast_in_dim3A_221 = vector.broadcast %jit3A_220 : i32 to vector<16xi32>
        %select_n3A_222 = arith.select %lt3A_219, %sub3A_215, %broadcast_in_dim3A_221 : vector<16xi1>, vector<16xi32>
        tpu.vector_store_idx %arg9[%select_n3A_222], %get3A_213 masked %lt3A_219 : memref<73728xf32, #tpu.memory_space<vmem>>[vector<16xi32>], vector<16xf32>, vector<16xi1>
        %add3A_223 = arith.constant 80 : i32
        %add3A_224 = arith.addi %mul3A_139, %add3A_223 : i32
        %get3A_225 = arith.index_cast %add3A_224 : i32 to index
        %get3A_226 = tpu.vector_load %arg5[%get3A_225] {strides = array<i32>} : memref<12288xi32, #tpu.memory_space<vmem>>, vector<16xi32>,
        %add3A_227 = arith.constant 80 : i32
        %add3A_228 = arith.addi %mul3A_139, %add3A_227 : i32
        %get3A_229 = arith.index_cast %add3A_228 : i32 to index
        %get3A_230 = tpu.vector_load %arg6[%get3A_229] {strides = array<i32>} : memref<12288xf32, #tpu.memory_space<vmem>>, vector<16xf32>,
        %sub3A_231 = vector.broadcast %mul3A_41 : i32 to vector<16xi32>
        %sub3A_232 = arith.subi %get3A_226, %sub3A_231 : vector<16xi32>
        %bitcast3A_233 = vector.bitcast %sub3A_232 : vector<16xi32> to vector<16xi32>
        %lt3A_234 = arith.constant 73728 : i32
        %lt3A_235 = vector.broadcast %lt3A_234 : i32 to vector<16xi32>
        %lt3A_236 = arith.cmpi ult, %bitcast3A_233, %lt3A_235 : vector<16xi32>
        %jit3A_237 = arith.constant 0 : i32
        %broadcast_in_dim3A_238 = vector.broadcast %jit3A_237 : i32 to vector<16xi32>
        %select_n3A_239 = arith.select %lt3A_236, %sub3A_232, %broadcast_in_dim3A_238 : vector<16xi1>, vector<16xi32>
        tpu.vector_store_idx %arg9[%select_n3A_239], %get3A_230 masked %lt3A_236 : memref<73728xf32, #tpu.memory_space<vmem>>[vector<16xi32>], vector<16xf32>, vector<16xi1>
        %add3A_240 = arith.constant 96 : i32
        %add3A_241 = arith.addi %mul3A_139, %add3A_240 : i32
        %get3A_242 = arith.index_cast %add3A_241 : i32 to index
        %get3A_243 = tpu.vector_load %arg5[%get3A_242] {strides = array<i32>} : memref<12288xi32, #tpu.memory_space<vmem>>, vector<16xi32>,
        %add3A_244 = arith.constant 96 : i32
        %add3A_245 = arith.addi %mul3A_139, %add3A_244 : i32
        %get3A_246 = arith.index_cast %add3A_245 : i32 to index
        %get3A_247 = tpu.vector_load %arg6[%get3A_246] {strides = array<i32>} : memref<12288xf32, #tpu.memory_space<vmem>>, vector<16xf32>,
        %sub3A_248 = vector.broadcast %mul3A_41 : i32 to vector<16xi32>
        %sub3A_249 = arith.subi %get3A_243, %sub3A_248 : vector<16xi32>
        %bitcast3A_250 = vector.bitcast %sub3A_249 : vector<16xi32> to vector<16xi32>
        %lt3A_251 = arith.constant 73728 : i32
        %lt3A_252 = vector.broadcast %lt3A_251 : i32 to vector<16xi32>
        %lt3A_253 = arith.cmpi ult, %bitcast3A_250, %lt3A_252 : vector<16xi32>
        %jit3A_254 = arith.constant 0 : i32
        %broadcast_in_dim3A_255 = vector.broadcast %jit3A_254 : i32 to vector<16xi32>
        %select_n3A_256 = arith.select %lt3A_253, %sub3A_249, %broadcast_in_dim3A_255 : vector<16xi1>, vector<16xi32>
        tpu.vector_store_idx %arg9[%select_n3A_256], %get3A_247 masked %lt3A_253 : memref<73728xf32, #tpu.memory_space<vmem>>[vector<16xi32>], vector<16xf32>, vector<16xi1>
        %add3A_257 = arith.constant 112 : i32
        %add3A_258 = arith.addi %mul3A_139, %add3A_257 : i32
        %get3A_259 = arith.index_cast %add3A_258 : i32 to index
        %get3A_260 = tpu.vector_load %arg5[%get3A_259] {strides = array<i32>} : memref<12288xi32, #tpu.memory_space<vmem>>, vector<16xi32>,
        %add3A_261 = arith.constant 112 : i32
        %add3A_262 = arith.addi %mul3A_139, %add3A_261 : i32
        %get3A_263 = arith.index_cast %add3A_262 : i32 to index
        %get3A_264 = tpu.vector_load %arg6[%get3A_263] {strides = array<i32>} : memref<12288xf32, #tpu.memory_space<vmem>>, vector<16xf32>,
        %sub3A_265 = vector.broadcast %mul3A_41 : i32 to vector<16xi32>
        %sub3A_266 = arith.subi %get3A_260, %sub3A_265 : vector<16xi32>
        %bitcast3A_267 = vector.bitcast %sub3A_266 : vector<16xi32> to vector<16xi32>
        %lt3A_268 = arith.constant 73728 : i32
        %lt3A_269 = vector.broadcast %lt3A_268 : i32 to vector<16xi32>
        %lt3A_270 = arith.cmpi ult, %bitcast3A_267, %lt3A_269 : vector<16xi32>
        %jit3A_271 = arith.constant 0 : i32
        %broadcast_in_dim3A_272 = vector.broadcast %jit3A_271 : i32 to vector<16xi32>
        %select_n3A_273 = arith.select %lt3A_270, %sub3A_266, %broadcast_in_dim3A_272 : vector<16xi1>, vector<16xi32>
        tpu.vector_store_idx %arg9[%select_n3A_273], %get3A_264 masked %lt3A_270 : memref<73728xf32, #tpu.memory_space<vmem>>[vector<16xi32>], vector<16xf32>, vector<16xi1>
      }
      %scan3A_136 = arith.constant 96 : i32
      "tpu.region"() ({
        %run_scoped3A = tpu.sem_alloc : memref<!tpu.dma_semaphore, #tpu.memory_space<semaphore_mem>>
        %dma_start3A_137 = tpu.memref_slice %arg4[%select_n3A, %mul3A_41] : memref<384x147456xf32, #tpu.memory_space<hbm>> -> memref<1x73728xf32, #tpu.memory_space<hbm>>
        %dma_start3A_138 = tpu.memref_squeeze %dma_start3A_137 : memref<1x73728xf32, #tpu.memory_space<hbm>> -> memref<73728xf32, #tpu.memory_space<hbm>>
        %dma_start3A_139 = tpu.memref_slice %arg4[%select_n3A, %mul3A_41] : memref<384x147456xf32, #tpu.memory_space<hbm>> -> memref<1x73728xf32, #tpu.memory_space<hbm>>
        %dma_start3A_140 = tpu.memref_squeeze %dma_start3A_139 : memref<1x73728xf32, #tpu.memory_space<hbm>> -> memref<73728xf32, #tpu.memory_space<hbm>>
        tpu.enqueue_dma source(%arg9 : memref<73728xf32, #tpu.memory_space<vmem>>) target(%dma_start3A_140 : memref<73728xf32, #tpu.memory_space<hbm>>) target_semaphore(%run_scoped3A : memref<!tpu.dma_semaphore, #tpu.memory_space<semaphore_mem>>)
        %dma_wait3A_141 = tpu.memref_slice %arg4[%select_n3A, %mul3A_41] : memref<384x147456xf32, #tpu.memory_space<hbm>> -> memref<1x73728xf32, #tpu.memory_space<hbm>>
        %dma_wait3A_142 = tpu.memref_squeeze %dma_wait3A_141 : memref<1x73728xf32, #tpu.memory_space<hbm>> -> memref<73728xf32, #tpu.memory_space<hbm>>
        %dma_wait3A_143 = tpu.memref_slice %arg4[%select_n3A, %mul3A_41] : memref<384x147456xf32, #tpu.memory_space<hbm>> -> memref<1x73728xf32, #tpu.memory_space<hbm>>
        %dma_wait3A_144 = tpu.memref_squeeze %dma_wait3A_143 : memref<1x73728xf32, #tpu.memory_space<hbm>> -> memref<73728xf32, #tpu.memory_space<hbm>>
        tpu.wait_dma2 semaphore(%run_scoped3A : memref<!tpu.dma_semaphore, #tpu.memory_space<semaphore_mem>>) src(%arg9 : memref<73728xf32, #tpu.memory_space<vmem>>) dst(%dma_wait3A_144 : memref<73728xf32, #tpu.memory_space<hbm>>)
        tpu.yield
      }) : () -> ()
    }
    %scan3A_5 = arith.constant 24 : i32
    return
  }
}

</mosaic_0001>

<sc_bundles>
// kernel: kernel.3.cloned.1.call-start
scs
__scs_entry_jumppad:
0x0: {  	(pc) =	sbr.rel $0x88, $3  }
0x1: {  	(tag) =	ssettag $0x0;
	lr =	simm.s32 $0x1  }
0x2: {  	[smem:$0x3F9F] =	sst lr;
	_ =	strace $0xD0000000  }
0x3: {  	_ = 	snop  }
0x4: {  	_ = 	snop  }
0x5: {  	_ = 	snop  }
0x6: {  	_ = 	snop  }
0x7: {  	_ = 	snop  }
__scs_overlays_trampoline_lowered:
0x8: {  	[smem:$0x3FAE] =	sst s0  }
0x9: {  	[smem:$0x3FAF] =	sst s1  }
0xa: {  	[smem:$0x3FB0] =	sst s2  }
0xb: {  	[smem:$0x3FB1] =	sst s3  }
0xc: {  	[smem:$0x3FB2] =	sst s4  }
0xd: {  	[smem:$0x3FB3] =	sst s5  }
0xe: {  	[smem:$0x3FB4] =	sst s6  }
0xf: {  	[smem:$0x3FB5] =	sst s7  }
0x10: {  	[smem:$0x3FB6] =	sst s8  }
0x11: {  	[smem:$0x3FB7] =	sst s9;
	s0 =	simm.s32 @!p0 $0x0  }
0x12: {  	s1 =	sld [smem:$0x3F9D];
	s0 =	simm.s32 @p0 $0x1  }
0x13: {  	[smem:$0x3FB8] =	sst s0;
	s0 =	simm.s32 @!p1 $0x0  }
0x14: {  	s2 =	sld [smem:$0x3F9C];
	s0 =	simm.s32 @p1 $0x1  }
0x15: {  	[smem:$0x3FB9] =	sst s0;
	s0 =	simm.s32 @!p2 $0x0  }
0x16: {  	s3 =	sld [smem:$0x3FDB];
	s0 =	simm.s32 @p2 $0x1  }
0x17: {  	s4 =	simm.s32 $0x1BF5;
	[smem:$0x3FBB] =	sst s0  }
0x18: {  	s0 =	sld [smem:$0x3F9E];
	_ =	swait.ge [sflag:s4], $0x0  }
0x19: {  	s7 =	sld [smem:$0x3F9F]  }
0x1a: {  	s8 =	sadd.s32 $0xFFFFE003, lr  }
0x1b: {  	s9 =	sadd.s32 $0xFFFFFEF7, lr;
	s5 =	simm.s32 $0xFFFFFFFF;
	p2 =	slt.u32 s8, $0xFFFFF086  }
0x1c: {  	p1 =	slt.u32 s9, $0xF7A;
	s5 =	simm.s32 @!p2 $0x0  }
0x1d: {  	s5 =	simm.s32 @p1 $0x1;
	p0 =	seq.s32 s7, s2  }
0x1e: {  	s7 =	smul.u32 @!p0 $0xF7A, s2;
	p2 =	seq.s32 @!p0 s5, $0x0  }
0x1f: {  	s9 =	smul.u32 $0xF7A, s1;
	s8 =	simm.s32 @!p0 $0x1BF5;
	p2 =	por !p2, p0  }
0x20: {  	[sflag:s8] =	ssyncset.s32 @!p0 $0xFFFFF086;
	s6 =	sadd.s32 @!p0 s3, s7;
	s7 =	simm.s32 @!p0 $0x108  }
0x21: {  	s3 =	sadd.s32 s3, s9;
	s6 =	sadd.s32 @!p0 $0x88, s6;
	s7 =	simm.s32 @p2 $0x1082  }
0x22: {  	[simem:s7], [sflag:s8] =	dma.local @!p0 [hbm:s6], $0xF7A  }
0x23: {  	s9 =	sor.u32 $0xD0000000, s2;
	s6 =	simm.s32 $0x108;
	_ =	swait.ge @!p0 [sflag:s8], $0x0  }
0x24: {  	s3 =	sadd.s32 $0x88, s3;
	s6 =	simm.s32 @!p1 $0x1082;
	[sflag:s4] =	ssyncset.s32 $0xFFFFF086  }
0x25: {  	[simem:s6], [sflag:s4] =	dma.local [hbm:s3], $0xF7A  }
0x26: {  	[smem:$0x3F9F] =	sst s1;
	(tag) =	ssettag s2;
	_ =	strace s9  }
0x27: {  	s1 =	sld [smem:$0x3FAF]  }
0x28: {  	s2 =	sld [smem:$0x3FB0]  }
0x29: {  	s4 =	sld [smem:$0x3FB2]  }
0x2a: {  	p0 =	seq.s32 s5, $0x0;
	s5 =	sld [smem:$0x3FB3]  }
0x2b: {  	s6 =	sld [smem:$0x3FB4]  }
0x2c: {  	s7 =	sld [smem:$0x3FB5]  }
0x2d: {  	s3 =	simm.s32 $0x108;
	s8 =	sld [smem:$0x3FB6]  }
0x2e: {  	s3 =	simm.s32 @!p0 $0x1082;
	s9 =	sld [smem:$0x3FB7]  }
0x2f: {  	lr =	sadd.s32 s0, s3;
	s0 =	sld [smem:$0x3FAE]  }
0x30: {  	s3 =	sld [smem:$0x3FB1]  }
0x31: {  	[smem:$0x3FBA] =	sst s10  }
0x32: {  	s10 =	sld [smem:$0x3FB8];
	_ =	sdelay $0x3  }
0x33: {  	p0 =	seq.s32 s10, $0x1;
	s10 =	sld [smem:$0x3FBA];
	_ =	sdelay $0x3  }
0x34: {  	[smem:$0x3FBA] =	sst s10  }
0x35: {  	s10 =	sld [smem:$0x3FB9];
	_ =	sdelay $0x3  }
0x36: {  	p1 =	seq.s32 s10, $0x1;
	s10 =	sld [smem:$0x3FBA];
	_ =	sdelay $0x3  }
0x37: {  	[smem:$0x3FBA] =	sst s10  }
0x38: {  	s10 =	sld [smem:$0x3FBB]  }
0x39: {  	_ = 	snop;
	(pc) =	sbr.ind lr, $3  }
0x3a: {  	_ = 	snop  }
0x3b: {  	_ = 	snop  }
0x3c: {  	p2 =	seq.s32 s10, $0x1;
	s10 =	sld [smem:$0x3FBA]  }
0x3d: {  	_ =	shalt  }
0x3e: {  	_ =	shalt  }
0x3f: {  	_ =	shalt  }
0x40: {  	_ =	shalt  }
0x41: {  	_ =	shalt  }
0x42: {  	_ =	shalt  }
0x43: {  	_ =	shalt  }
0x44: {  	_ =	shalt  }
0x45: {  	_ =	shalt  }
0x46: {  	_ =	shalt  }
0x47: {  	_ =	shalt  }
0x48: {  	_ =	shalt  }
0x49: {  	_ =	shalt  }
0x4a: {  	_ =	shalt  }
0x4b: {  	_ =	shalt  }
0x4c: {  	_ =	shalt  }
0x4d: {  	_ =	shalt  }
0x4e: {  	_ =	shalt  }
0x4f: {  	_ =	shalt  }
0x50: {  	_ =	shalt  }
0x51: {  	_ =	shalt  }
0x52: {  	_ =	shalt  }
0x53: {  	_ =	shalt  }
0x54: {  	_ =	shalt  }
0x55: {  	_ =	shalt  }
0x56: {  	_ =	shalt  }
0x57: {  	_ =	shalt  }
0x58: {  	_ =	shalt  }
0x59: {  	_ =	shalt  }
0x5a: {  	_ =	shalt  }
0x5b: {  	_ =	shalt  }
0x5c: {  	_ =	shalt  }
0x5d: {  	_ =	shalt  }
0x5e: {  	_ =	shalt  }
0x5f: {  	_ =	shalt  }
0x60: {  	_ =	shalt  }
0x61: {  	_ =	shalt  }
0x62: {  	_ =	shalt  }
0x63: {  	_ =	shalt  }
0x64: {  	_ =	shalt  }
0x65: {  	_ =	shalt  }
0x66: {  	_ =	shalt  }
0x67: {  	_ =	shalt  }
0x68: {  	_ =	shalt  }
0x69: {  	_ =	shalt  }
0x6a: {  	_ =	shalt  }
0x6b: {  	_ =	shalt  }
0x6c: {  	_ =	shalt  }
0x6d: {  	_ =	shalt  }
0x6e: {  	_ =	shalt  }
0x6f: {  	_ =	shalt  }
0x70: {  	_ =	shalt  }
0x71: {  	_ =	shalt  }
0x72: {  	_ =	shalt  }
0x73: {  	_ =	shalt  }
0x74: {  	_ =	shalt  }
0x75: {  	_ =	shalt  }
0x76: {  	_ =	shalt  }
0x77: {  	_ =	shalt  }
0x78: {  	_ =	shalt  }
0x79: {  	_ =	shalt  }
0x7a: {  	_ =	shalt  }
0x7b: {  	_ =	shalt  }
0x7c: {  	_ =	shalt  }
0x7d: {  	_ =	shalt  }
0x7e: {  	_ =	shalt  }
0x7f: {  	_ =	shalt  }
0x80: {  	_ =	shalt  }
0x81: {  	_ =	shalt  }
0x82: {  	_ =	shalt  }
0x83: {  	_ =	shalt  }
0x84: {  	_ =	shalt  }
0x85: {  	_ =	shalt  }
0x86: {  	_ =	shalt  }
0x87: {  	_ =	shalt  }
.Lfunc_end0:
.L_simem_size_0:
called_computation.1_lowered:
.L_overlay_start_0:
0x88: {  	s2 =	sld [smem:$0x3FD9]  }
0x89: {  	s3 =	sld [smem:$0x3FFE];
	_ =	sdelay $0x1  }
0x8a: {  	s1 =	srdreg.scid  }
0x8b: {  	s0 =	sand.u32 $0x1, s1  }
0x8c: {  	s17 =	sshll.u32 s0, $0xA;
	s2 =	sadd.s32 s3, s2  }
0x8d: {  	s2 =	sadd.s32 s2, s17  }
0x8e: {  	[smem:$0x3FC6] =	sst s2  }
0x8f: {  	_ = 	snop  }
0x90: {  	s2 =	sld [smem:$0x3FD0];
	(tm) =	ssettm $0x1  }
0x91: {  	s18 =	sld [smem:$0x3FFB];
	_ =	sdelay $0x3  }
0x92: {  	_ =	strace s18  }
0x93: {  	s3 =	sld [smem:$0x3FFC];
	_ =	sdelay $0x3  }
0x94: {  	_ =	strace s3  }
0x95: {  	s3 =	sld [smem:$0x3FFD];
	_ =	sdelay $0x3  }
0x96: {  	_ =	strace s3  }
0x97: {  	_ =	strace $0x8FFFFFFF  }
0x98: {  	s19 =	sld [smem:$0x3FDB];
	_ =	sdelay $0x1  }
0x99: {  	s4 =	simm.s32 $_scs_section_size  }
0x9a: {  	s5 =	simm.s32 $_size__tile_overlayer_lowered;
	s6 =	simm.s32 $_tile_overlayer_lowered  }
0x9b: {  	s22 =	simm.s32 $0x1BFF;
	s21 =	sshll.u32 s6, $0x1;
	s3 =	sadd.s32 s4, s19  }
0x9c: {  	s7 =	simm.s32 $0x0;
	s20 =	sshll.u32 s5, $0x1;
	s5 =	sadd.s32 s21, s3  }
0x9d: {  	[timem:s7], [sflag:s22] =	dma.local [hbm:s5], s20  }
0x9e: {  	_ =	swait.ge [sflag:s22], s20  }
0x9f: {  	s4 =	ssub.s32 $0x0, s20;
	[sflag:s22] =	ssyncset.done $0x0  }
0xa0: {  	[sflag:s22] =	ssyncadd.s32 s4;
	_ =	sdelay $0x1  }
0xa1: {  	s23 =	simm.s32 $0x1B8B  }
0xa2: {  	_ =	swait.ge [sflag:s23], $0x1  }
0xa3: {  	[sflag:s23] =	ssyncset.done $0x0  }
0xa4: {  	s25 =	simm.s32 $0x1B8E;
	s24 =	sld [smem:$0x3FFE];
	[sflag:s23] =	ssyncadd.s32 $0xFFFFFFFF  }
0xa5: {  	s26 =	simm.s32 $execute0_lowered;
	[smem:$0x3FD2] =	sst s25  }
0xa6: {  	s5 =	sshll.u32 s26, $0x1;
	_ =	strace $0x80000046;
	[dreg:$0x1] =	wrdreg $0xFFFFFFFF  }
0xa7: {  	s28 =	simm.s32 $_size_execute0_lowered;
	s3 =	sadd.s32 s3, s5;
	[dreg:$0x0] =	wrdreg $0x0  }
0xa8: {  	s5 =	sshll.u32 s28, $0x1;
	[dreg:$0x2] =	wrdreg s3  }
0xa9: {  	[dreg:$0x3] =	wrdreg s5  }
0xaa: {  	[dreg:$0x4] =	wrdreg $0xC0  }
0xab: {  	_ =	task [dreg:s7], $0x5FFFF  }
0xac: {  	[dreg:$0x1] =	wrdreg $0xFFFFFFFF  }
0xad: {  	[dreg:$0x0] =	wrdreg $0x60  }
0xae: {  	[dreg:$0x2] =	wrdreg s2  }
0xaf: {  	[dreg:$0x3] =	wrdreg s24  }
0xb0: {  	[dreg:$0x4] =	wrdreg $0x9  }
0xb1: {  	_ =	task.clear_ibuf [dreg:s7], $0x5FFFF;
	_ =	strace $0x90000046  }
0xb2: {  	s29 =	simm.s32 $0x9;
	_ =	strace $0x80000048  }
0xb3: {  	_ =	swait.ge [sflag:s29], $0x1  }
0xb4: {  	[sflag:s29] =	ssyncadd.s32 $0xFFFFFFFF  }
0xb5: {  	_ =	strace $0x90000048  }
0xb6: {  	_ =	sfence  }
0xb7: {  	s30 =	sld [smem:$0x0];
	_ =	sdelay $0x2  }
0xb8: {  	s31 =	sshll.u32 s1, $0xD;
	s1 =	sshrl.u32 s1, $0x2  }
0xb9: {  	s3 =	sand.u32 $0x4000, s31;
	s1 =	sadd.s32 s1, s30  }
0xba: {  	s0 =	sor.u32 s3, s0;
	s1 =	sshll.u32 s1, $0x11  }
0xbb: {  	s0 =	sor.u32 s1, s0  }
0xbc: {  	s0 =	sadd.s32 $0x8F2B, s0  }
0xbd: {  	[sflag:s0] =	ssyncadd.remote.s32 $0x1  }
0xbe: {  	_ =	sfence.sel $0xFFFF  }
0xbf: {  	[dreg:$0x0] =	wrdreg $0xFFFFFFFF;
	(pc) =	sbr.abs _section_cstart, $3  }
0xc0: {  	[dreg:$0x1] =	wrdreg $0xFFFFFFFF  }
0xc1: {  	_ =	task.clear_ibuf [dreg:s7], $0x2FFFF;
	_ =	strace $0x9FFFFFFF  }
0xc2: {  	(tm) =	ssettm $0x7FFFFFFF  }
0xc3: {  	_ =	shalt  }
tec
execute0_lowered:
.L_overlay_start_1:
0x0: {  	(tag) =	ssettag $0x1  }
0x1: {  	s1 =	rddreg [dreg:$0x0]  }
0x2: {  	s5 =	rddreg [dreg:$0x1]  }
0x3: {  	s2 =	srdreg.scid;
	s0 =	rddreg [dreg:$0x2]  }
0x4: {  	s3 =	simm.s32 $0x0;
	s10 =	simm.s32 $0x400;
	s11 =	simm.s32 $0x3000  }
0x5: {  	s12 =	simm.s32 $0x6000;
	s13 =	simm.s32 $0x9000;
	s14 =	simm.s32 $0xC000  }
0x6: {  	s15 =	simm.s32 $0x2;
	s16 =	simm.s32 $0x3;
	s24 =	simm.s32 $0x0  }
0x7: {  	s6 =	sand.u32 $0x1, s2;
	[smem:$0x7FF] =	sst s3;
	s2 =	stileid.u32  }
0x8: {  	s4 =	sadd.s32 $0x800, s5;
	s5 =	sadd.s32 $0x1B0800, s5;
	s7 =	ssub.s32 $0x2, s6  }
0x9: {  	_ =	strace $0x80000047;
	s9 =	sshll.u32 s2, $0x1;
	s8 =	sshrl.u32 s7, $0x1  }
0xa: {  	s6 =	sor.u32 s6, s9;
	s9 =	simm.s32 $0x80;
	s7 =	ssub.s32 s7, s8  }
0xb: {  	v0 =	vimm.f32 $0.0e+00;
	s6 =	smul.u32 $0x18, s6;
	s8 =	simm.s32 $0x1;
	s7 =	smax.u32 s7, $0x1  }
.LBB2_1:
0xc: {  	s17 =	simm.s32 $0x0  }
.LBB2_2:
0xd: {  	s18 =	sadd.s32 s6, s17;
	s19 =	sand.u32 $0x1, s17  }
0xe: {  	p1 =	seq.s32 s18, $0x0;
	p0 =	seq.s32 s19, $0x1  }
0xf: {  	p1 =	por !p1, !p0  }
0x10: {  	s19 =	simm.s32 $0x1;
	p1 =	por !p1, !p1  }
0x11: {  	s18 =	sshrl.u32 s18, $0x1;
	s19 =	simm.s32 @!p1 $0x0  }
0x12: {  	s19 =	ssub.s32 s18, s19  }
0x13: {  	s18 =	sshrl.u32 s19, $0x3  }
0x14: {  	s19 =	sshll.u32 s19, $0x7;
	s21 =	smul.u32 $0x48000, s18  }
0x15: {  	s19 =	sand.u32 $0x380, s19  }
0x16: {  	s20 =	sor.u32 s19, s21  }
0x17: {  	s22 =	sshrl.u32 s20, $0x3  }
0x18: {  	s20 =	sadd.s32 $0x18000, s20;
	s23 =	sadd.s32 s4, s22  }
0x19: {  	[tilespmem:s24], [sflag:$0x1] =	stream.strided.gather [hbm4b:s23+s9], $0x3000, s10, s9, $0x38;
	[tilespmem:$0x1E000] =	vst v63  }
0x1a: {  	s22 =	sadd.s32 s1, s22;
	s20 =	sshrl.u32 s20, $0x3  }
0x1b: {  	[tilespmem:s11], [sflag:$0x1] =	stream.strided.gather [hbm4b:s22+s9], $0x3000, s10, s9, $0x38;
	[tilespmem:$0x1E000] =	vst v63  }
0x1c: {  	s31 =	sadd.s32 s4, s20  }
0x1d: {  	[tilespmem:s12], [sflag:$0x2] =	stream.strided.gather [hbm4b:s31+s9], $0x3000, s10, s9, $0x38;
	[tilespmem:$0x1E000] =	vst v63  }
0x1e: {  	s20 =	sadd.s32 s1, s20  }
0x1f: {  	[tilespmem:s13], [sflag:$0x2] =	stream.strided.gather [hbm4b:s20+s9], $0x3000, s10, s9, $0x38;
	[tilespmem:$0x1E000] =	vst v63  }
0x20: {  	s22 =	simm.s32 $0x400;
	s20 =	simm.s32 $0x0  }
.LBB2_3:
0x21: {  	p1 =	sne.s32 s22, $0x47C00;
	[tilespmem:s20+$0xC0F0] =	vst v0  }
0x22: {  	[tilespmem:s20+$0xC000] =	vst v0  }
0x23: {  	[tilespmem:s20+$0xC010] =	vst v0  }
0x24: {  	[tilespmem:s20+$0xC020] =	vst v0  }
0x25: {  	[tilespmem:s20+$0xC030] =	vst v0  }
0x26: {  	[tilespmem:s20+$0xC040] =	vst v0  }
0x27: {  	[tilespmem:s20+$0xC050] =	vst v0  }
0x28: {  	[tilespmem:s20+$0xC060] =	vst v0  }
0x29: {  	[tilespmem:s20+$0xC070] =	vst v0  }
0x2a: {  	[tilespmem:s20+$0xC080] =	vst v0  }
0x2b: {  	[tilespmem:s20+$0xC090] =	vst v0  }
.Ltmp0:
0x2c: {  	[tilespmem:s20+$0xC0A0] =	vst v0;
	(pc) =	sbr.rel @p1 .LBB2_3-.Ltmp0, $4  }
0x2d: {  	[tilespmem:s20+$0xC0B0] =	vst v0  }
0x2e: {  	[tilespmem:s20+$0xC0C0] =	vst v0  }
0x2f: {  	[tilespmem:s20+$0xC0D0] =	vst v0  }
0x30: {  	[tilespmem:s20+$0xC0E0] =	vst v0;
	s20 =	sshra.s32 s22, $0x2;
	s22 =	sadd.s32 $0x400, s22  }
0x31: {  	[tilespmem:s20+$0xC0F0] =	vst v0  }
0x32: {  	[tilespmem:s20+$0xC000] =	vst v0  }
0x33: {  	[tilespmem:s20+$0xC010] =	vst v0  }
0x34: {  	[tilespmem:s20+$0xC020] =	vst v0  }
0x35: {  	[tilespmem:s20+$0xC030] =	vst v0  }
0x36: {  	[tilespmem:s20+$0xC040] =	vst v0  }
0x37: {  	[tilespmem:s20+$0xC050] =	vst v0  }
0x38: {  	[tilespmem:s20+$0xC060] =	vst v0  }
0x39: {  	[tilespmem:s20+$0xC070] =	vst v0  }
0x3a: {  	[tilespmem:s20+$0xC080] =	vst v0  }
0x3b: {  	[tilespmem:s20+$0xC090] =	vst v0  }
0x3c: {  	[tilespmem:s20+$0xC0A0] =	vst v0  }
0x3d: {  	[tilespmem:s20+$0xC0B0] =	vst v0  }
0x3e: {  	[tilespmem:s20+$0xC0C0] =	vst v0  }
0x3f: {  	[tilespmem:s20+$0xC0D0] =	vst v0  }
0x40: {  	[tilespmem:s20+$0xC0E0] =	vst v0  }
0x41: {  	_ =	swait.ge [sflag:s8], $0x3000  }
0x42: {  	[sflag:s8] =	ssyncset.done $0x0  }
0x43: {  	[sflag:s8] =	ssyncadd.s32 $0xFFFFD000  }
0x44: {  	s20 =	simm.s32 $0x12000;
	_ =	swait.ge [sflag:s8], $0x3000  }
0x45: {  	s20 =	simm.s32 @!p0 $0x0;
	[sflag:s8] =	ssyncset.done $0x0  }
0x46: {  	s22 =	simm.s32 $0x0;
	v1 =	vmov s20;
	[sflag:s8] =	ssyncadd.s32 $0xFFFFD000  }
.LBB2_5:
0x47: {  	s23 =	sshra.s32 s22, $0x2  }
0x48: {  	v2 =	vld [tilespmem:s23+$0x0];
	_ =	sdelay $0x4  }
0x49: {  	v2 =	vsub.s32 v2, v1  }
0x4a: {  	vm0 =	vlt.u32 v2, $0x12000  }
0x4b: {  	v3 =	vld [tilespmem:s23+$0x3000];
	v2 =	vnsel vm0, $0x0, v2;
	_ =	sdelay $0x4  }
0x4c: {  	[tilespmem:v2+s14+$0x0] =	vst.idx.msk vm0, v3  }
0x4d: {  	v2 =	vld [tilespmem:s23+$0x10];
	_ =	sdelay $0x4  }
0x4e: {  	v2 =	vsub.s32 v2, v1  }
0x4f: {  	vm9 =	vlt.u32 v2, $0x12000  }
0x50: {  	v3 =	vld [tilespmem:s23+$0x3010];
	v2 =	vnsel vm9, $0x0, v2;
	_ =	sdelay $0x4  }
0x51: {  	[tilespmem:v2+s14+$0x0] =	vst.idx.msk vm9, v3  }
0x52: {  	v2 =	vld [tilespmem:s23+$0x20];
	_ =	sdelay $0x4  }
0x53: {  	v2 =	vsub.s32 v2, v1  }
0x54: {  	vm10 =	vlt.u32 v2, $0x12000  }
0x55: {  	v3 =	vld [tilespmem:s23+$0x3020];
	v2 =	vnsel vm10, $0x0, v2;
	_ =	sdelay $0x4  }
0x56: {  	[tilespmem:v2+s14+$0x0] =	vst.idx.msk vm10, v3  }
0x57: {  	v2 =	vld [tilespmem:s23+$0x30];
	_ =	sdelay $0x4  }
0x58: {  	v2 =	vsub.s32 v2, v1  }
0x59: {  	vm11 =	vlt.u32 v2, $0x12000  }
0x5a: {  	v3 =	vld [tilespmem:s23+$0x3030];
	v2 =	vnsel vm11, $0x0, v2;
	_ =	sdelay $0x4  }
0x5b: {  	[tilespmem:v2+s14+$0x0] =	vst.idx.msk vm11, v3  }
0x5c: {  	v2 =	vld [tilespmem:s23+$0x40];
	_ =	sdelay $0x4  }
0x5d: {  	v2 =	vsub.s32 v2, v1  }
0x5e: {  	vm12 =	vlt.u32 v2, $0x12000  }
0x5f: {  	v3 =	vld [tilespmem:s23+$0x3040];
	v2 =	vnsel vm12, $0x0, v2;
	_ =	sdelay $0x4  }
0x60: {  	[tilespmem:v2+s14+$0x0] =	vst.idx.msk vm12, v3  }
0x61: {  	v2 =	vld [tilespmem:s23+$0x50];
	_ =	sdelay $0x4  }
0x62: {  	v2 =	vsub.s32 v2, v1  }
0x63: {  	vm13 =	vlt.u32 v2, $0x12000  }
0x64: {  	v3 =	vld [tilespmem:s23+$0x3050];
	v2 =	vnsel vm13, $0x0, v2;
	_ =	sdelay $0x4  }
0x65: {  	[tilespmem:v2+s14+$0x0] =	vst.idx.msk vm13, v3  }
0x66: {  	v2 =	vld [tilespmem:s23+$0x60];
	_ =	sdelay $0x4  }
0x67: {  	v2 =	vsub.s32 v2, v1  }
0x68: {  	vm14 =	vlt.u32 v2, $0x12000  }
0x69: {  	v3 =	vld [tilespmem:s23+$0x3060];
	v2 =	vnsel vm14, $0x0, v2;
	_ =	sdelay $0x4  }
0x6a: {  	[tilespmem:v2+s14+$0x0] =	vst.idx.msk vm14, v3  }
0x6b: {  	v2 =	vld [tilespmem:s23+$0x70];
	_ =	sdelay $0x4  }
0x6c: {  	v2 =	vsub.s32 v2, v1  }
0x6d: {  	vm15 =	vlt.u32 v2, $0x12000  }
0x6e: {  	p0 =	sne.s32 s22, $0xBE00;
	v3 =	vld [tilespmem:s23+$0x3070];
	v2 =	vnsel vm15, $0x0, v2  }
.Ltmp1:
0x6f: {  	_ = 	snop;
	(pc) =	sbr.rel @p0 .LBB2_5-.Ltmp1, $2  }
0x70: {  	_ =	sdelay $0x2  }
0x71: {  	s22 =	sadd.s32 $0x200, s22;
	[tilespmem:v2+s14+$0x0] =	vst.idx.msk vm15, v3  }
0x72: {  	s21 =	sadd.s32 s19, s21  }
0x73: {  	s21 =	sadd.s32 $0x30000, s21  }
0x74: {  	s22 =	sshrl.u32 s21, $0x3  }
0x75: {  	s21 =	simm.s32 $0x0;
	s23 =	sadd.s32 s4, s22  }
0x76: {  	[tilespmem:s21], [sflag:$0x1] =	stream.strided.gather [hbm4b:s23+s9], $0x3000, s10, s9, $0x38;
	[tilespmem:$0x1E000] =	vst v63  }
0x77: {  	s22 =	sadd.s32 s1, s22  }
0x78: {  	[tilespmem:s11], [sflag:$0x1] =	stream.strided.gather [hbm4b:s22+s9], $0x3000, s10, s9, $0x38;
	[tilespmem:$0x1E000] =	vst v63  }
0x79: {  	_ =	swait.ge [sflag:s15], $0x3000  }
0x7a: {  	[sflag:s15] =	ssyncset.done $0x0  }
0x7b: {  	[sflag:s15] =	ssyncadd.s32 $0xFFFFD000  }
0x7c: {  	_ =	swait.ge [sflag:s15], $0x3000  }
0x7d: {  	[sflag:s15] =	ssyncset.done $0x0  }
0x7e: {  	[sflag:s15] =	ssyncadd.s32 $0xFFFFD000  }
.LBB2_7:
0x7f: {  	s22 =	sshra.s32 s21, $0x2  }
0x80: {  	v2 =	vld [tilespmem:s22+$0x6000];
	_ =	sdelay $0x4  }
0x81: {  	v2 =	vsub.s32 v2, v1  }
0x82: {  	vm0 =	vlt.u32 v2, $0x12000  }
0x83: {  	v3 =	vld [tilespmem:s22+$0x9000];
	v2 =	vnsel vm0, $0x0, v2;
	_ =	sdelay $0x4  }
0x84: {  	[tilespmem:v2+s14+$0x0] =	vst.idx.msk vm0, v3  }
0x85: {  	v2 =	vld [tilespmem:s22+$0x6010];
	_ =	sdelay $0x4  }
0x86: {  	v2 =	vsub.s32 v2, v1  }
0x87: {  	vm9 =	vlt.u32 v2, $0x12000  }
0x88: {  	v3 =	vld [tilespmem:s22+$0x9010];
	v2 =	vnsel vm9, $0x0, v2;
	_ =	sdelay $0x4  }
0x89: {  	[tilespmem:v2+s14+$0x0] =	vst.idx.msk vm9, v3  }
0x8a: {  	v2 =	vld [tilespmem:s22+$0x6020];
	_ =	sdelay $0x4  }
0x8b: {  	v2 =	vsub.s32 v2, v1  }
0x8c: {  	vm10 =	vlt.u32 v2, $0x12000  }
0x8d: {  	v3 =	vld [tilespmem:s22+$0x9020];
	v2 =	vnsel vm10, $0x0, v2;
	_ =	sdelay $0x4  }
0x8e: {  	[tilespmem:v2+s14+$0x0] =	vst.idx.msk vm10, v3  }
0x8f: {  	v2 =	vld [tilespmem:s22+$0x6030];
	_ =	sdelay $0x4  }
0x90: {  	v2 =	vsub.s32 v2, v1  }
0x91: {  	vm11 =	vlt.u32 v2, $0x12000  }
0x92: {  	v3 =	vld [tilespmem:s22+$0x9030];
	v2 =	vnsel vm11, $0x0, v2;
	_ =	sdelay $0x4  }
0x93: {  	[tilespmem:v2+s14+$0x0] =	vst.idx.msk vm11, v3  }
0x94: {  	v2 =	vld [tilespmem:s22+$0x6040];
	_ =	sdelay $0x4  }
0x95: {  	v2 =	vsub.s32 v2, v1  }
0x96: {  	vm12 =	vlt.u32 v2, $0x12000  }
0x97: {  	v3 =	vld [tilespmem:s22+$0x9040];
	v2 =	vnsel vm12, $0x0, v2;
	_ =	sdelay $0x4  }
0x98: {  	[tilespmem:v2+s14+$0x0] =	vst.idx.msk vm12, v3  }
0x99: {  	v2 =	vld [tilespmem:s22+$0x6050];
	_ =	sdelay $0x4  }
0x9a: {  	v2 =	vsub.s32 v2, v1  }
0x9b: {  	vm13 =	vlt.u32 v2, $0x12000  }
0x9c: {  	v3 =	vld [tilespmem:s22+$0x9050];
	v2 =	vnsel vm13, $0x0, v2;
	_ =	sdelay $0x4  }
0x9d: {  	[tilespmem:v2+s14+$0x0] =	vst.idx.msk vm13, v3  }
0x9e: {  	v2 =	vld [tilespmem:s22+$0x6060];
	_ =	sdelay $0x4  }
0x9f: {  	v2 =	vsub.s32 v2, v1  }
0xa0: {  	vm14 =	vlt.u32 v2, $0x12000  }
0xa1: {  	v3 =	vld [tilespmem:s22+$0x9060];
	v2 =	vnsel vm14, $0x0, v2;
	_ =	sdelay $0x4  }
0xa2: {  	[tilespmem:v2+s14+$0x0] =	vst.idx.msk vm14, v3  }
0xa3: {  	v2 =	vld [tilespmem:s22+$0x6070];
	_ =	sdelay $0x4  }
0xa4: {  	v2 =	vsub.s32 v2, v1  }
0xa5: {  	vm15 =	vlt.u32 v2, $0x12000  }
0xa6: {  	p0 =	sne.s32 s21, $0xBE00;
	v3 =	vld [tilespmem:s22+$0x9070];
	v2 =	vnsel vm15, $0x0, v2  }
.Ltmp2:
0xa7: {  	_ = 	snop;
	(pc) =	sbr.rel @p0 .LBB2_7-.Ltmp2, $2  }
0xa8: {  	_ =	sdelay $0x2  }
0xa9: {  	s21 =	sadd.s32 $0x200, s21;
	[tilespmem:v2+s14+$0x0] =	vst.idx.msk vm15, v3  }
0xaa: {  	_ =	swait.ge [sflag:s8], $0x3000  }
0xab: {  	[sflag:s8] =	ssyncset.done $0x0  }
0xac: {  	[sflag:s8] =	ssyncadd.s32 $0xFFFFD000  }
0xad: {  	_ =	swait.ge [sflag:s8], $0x3000  }
0xae: {  	[sflag:s8] =	ssyncset.done $0x0  }
0xaf: {  	s21 =	simm.s32 $0x0;
	[sflag:s8] =	ssyncadd.s32 $0xFFFFD000  }
.LBB2_9:
0xb0: {  	s22 =	sshra.s32 s21, $0x2  }
0xb1: {  	v2 =	vld [tilespmem:s22+$0x0];
	_ =	sdelay $0x4  }
0xb2: {  	v2 =	vsub.s32 v2, v1  }
0xb3: {  	vm0 =	vlt.u32 v2, $0x12000  }
0xb4: {  	v3 =	vld [tilespmem:s22+$0x3000];
	v2 =	vnsel vm0, $0x0, v2;
	_ =	sdelay $0x4  }
0xb5: {  	[tilespmem:v2+s14+$0x0] =	vst.idx.msk vm0, v3  }
0xb6: {  	v2 =	vld [tilespmem:s22+$0x10];
	_ =	sdelay $0x4  }
0xb7: {  	v2 =	vsub.s32 v2, v1  }
0xb8: {  	vm9 =	vlt.u32 v2, $0x12000  }
0xb9: {  	v3 =	vld [tilespmem:s22+$0x3010];
	v2 =	vnsel vm9, $0x0, v2;
	_ =	sdelay $0x4  }
0xba: {  	[tilespmem:v2+s14+$0x0] =	vst.idx.msk vm9, v3  }
0xbb: {  	v2 =	vld [tilespmem:s22+$0x20];
	_ =	sdelay $0x4  }
0xbc: {  	v2 =	vsub.s32 v2, v1  }
0xbd: {  	vm10 =	vlt.u32 v2, $0x12000  }
0xbe: {  	v3 =	vld [tilespmem:s22+$0x3020];
	v2 =	vnsel vm10, $0x0, v2;
	_ =	sdelay $0x4  }
0xbf: {  	[tilespmem:v2+s14+$0x0] =	vst.idx.msk vm10, v3  }
0xc0: {  	v2 =	vld [tilespmem:s22+$0x30];
	_ =	sdelay $0x4  }
0xc1: {  	v2 =	vsub.s32 v2, v1  }
0xc2: {  	vm11 =	vlt.u32 v2, $0x12000  }
0xc3: {  	v3 =	vld [tilespmem:s22+$0x3030];
	v2 =	vnsel vm11, $0x0, v2;
	_ =	sdelay $0x4  }
0xc4: {  	[tilespmem:v2+s14+$0x0] =	vst.idx.msk vm11, v3  }
0xc5: {  	v2 =	vld [tilespmem:s22+$0x40];
	_ =	sdelay $0x4  }
0xc6: {  	v2 =	vsub.s32 v2, v1  }
0xc7: {  	vm12 =	vlt.u32 v2, $0x12000  }
0xc8: {  	v3 =	vld [tilespmem:s22+$0x3040];
	v2 =	vnsel vm12, $0x0, v2;
	_ =	sdelay $0x4  }
0xc9: {  	[tilespmem:v2+s14+$0x0] =	vst.idx.msk vm12, v3  }
0xca: {  	v2 =	vld [tilespmem:s22+$0x50];
	_ =	sdelay $0x4  }
0xcb: {  	v2 =	vsub.s32 v2, v1  }
0xcc: {  	vm13 =	vlt.u32 v2, $0x12000  }
0xcd: {  	v3 =	vld [tilespmem:s22+$0x3050];
	v2 =	vnsel vm13, $0x0, v2;
	_ =	sdelay $0x4  }
0xce: {  	[tilespmem:v2+s14+$0x0] =	vst.idx.msk vm13, v3  }
0xcf: {  	v2 =	vld [tilespmem:s22+$0x60];
	_ =	sdelay $0x4  }
0xd0: {  	v2 =	vsub.s32 v2, v1  }
0xd1: {  	vm14 =	vlt.u32 v2, $0x12000  }
0xd2: {  	v3 =	vld [tilespmem:s22+$0x3060];
	v2 =	vnsel vm14, $0x0, v2;
	_ =	sdelay $0x4  }
0xd3: {  	[tilespmem:v2+s14+$0x0] =	vst.idx.msk vm14, v3  }
0xd4: {  	v2 =	vld [tilespmem:s22+$0x70];
	_ =	sdelay $0x4  }
0xd5: {  	v2 =	vsub.s32 v2, v1  }
0xd6: {  	vm15 =	vlt.u32 v2, $0x12000  }
0xd7: {  	p0 =	sne.s32 s21, $0xBE00;
	v3 =	vld [tilespmem:s22+$0x3070];
	v2 =	vnsel vm15, $0x0, v2  }
.Ltmp3:
0xd8: {  	_ = 	snop;
	(pc) =	sbr.rel @p0 .LBB2_9-.Ltmp3, $2  }
0xd9: {  	_ =	sdelay $0x2  }
0xda: {  	s21 =	sadd.s32 $0x200, s21;
	[tilespmem:v2+s14+$0x0] =	vst.idx.msk vm15, v3  }
0xdb: {  	s18 =	smul.u32 $0x120000, s18  }
0xdc: {  	s20 =	sshll.u32 s20, $0x3  }
0xdd: {  	s18 =	sadd.s32 s20, s18  }
0xde: {  	s17 =	sadd.s32 $0x1, s17;
	s18 =	sor.u32 s19, s18  }
0xdf: {  	p0 =	sne.s32 s17, $0x18;
	s18 =	sshrl.u32 s18, $0x3  }
.Ltmp4:
0xe0: {  	s18 =	sadd.s32 s5, s18;
	(pc) =	sbr.rel @p0 .LBB2_2-.Ltmp4, $4  }
0xe1: {  	[hbm4b:s18+s9] =	stream.strided.scatter [tilespmem:s14], [sflag:$0x3], $0x12000, s10, s9, $0x38;
	[tilespmem:$0x1E000] =	vst v63  }
0xe2: {  	_ =	swait.ge [sflag:s16], $0x12000  }
0xe3: {  	[sflag:s16] =	ssyncset.done $0x0  }
0xe4: {  	[sflag:s16] =	ssyncadd.s32 $0xFFFEE000  }
0xe5: {  	s3 =	sadd.s32 $0x1, s3  }
0xe6: {  	p0 =	sne.s32 s3, s7  }
.Ltmp5:
0xe7: {  	_ = 	snop;
	(pc) =	sbr.rel @p0 .LBB2_1-.Ltmp5, $1  }
0xe8: {  	_ =	sdelay $0x3  }
0xe9: {  	_ =	sfence.sel $0x180000  }
0xea: {  	[bflag:$0x0] =	sbarrier.arrive $0xFFFF  }
0xeb: {  	p0 =	sne.s32 s2, $0x0;
	_ =	strace $0x90000047  }
0xec: {  	s0 =	sadd.s32 @!p0 $0x100000, s0;
	[bflag:$0x2] =	sbarrier.arrive $0xFFFF  }
0xed: {  	[sflag:s0] =	ssyncadd.tile.s32 @!p0 $0x1;
	_ =	shalt  }
.Lfunc_end2:
_tile_overlayer_lowered:
.L_overlay_start_2:
0xee: {  	(tag) =	ssettag $0x2  }
0xef: {  	s0 =	rddreg [dreg:$0x0];
	s2 =	stileid.u32  }
0xf0: {  	s1 =	rddreg [dreg:$0x1];
	p0 =	sne.s32 s2, $0x0  }
0xf1: {  	s3 =	rddreg [dreg:$0x2];
	[bflag:$0x3] =	sbarrier.arrive $0xFFFF;
	s2 =	simm.s32 @!p0 $0x1C03  }
0xf2: {  	[timem:s3], [sflag:s2] =	dma.local @!p0 [hbm:s0], s1  }
0xf3: {  	s0 =	simm.s32 @!p0 $0x3  }
0xf4: {  	_ =	swait.ge @!p0 [sflag:s0], s1  }
0xf5: {  	s1 =	ssub.s32 @!p0 $0x0, s1;
	[sflag:s0] =	ssyncset.done @!p0 $0x0  }
0xf6: {  	[sflag:s0] =	ssyncadd.s32 @!p0 s1  }
0xf7: {  	[bflag:$0x3] =	sbarrier.arrive $0xFFFF  }
0xf8: {  	_ =	shalt  }

// kernel: sparse-core-data-format-call.cloned.1.call-start
scs
called_computation_lowered:
.L_overlay_start_0:
0x0: {  	s2 =	sld [smem:$0x3FD9]  }
0x1: {  	s3 =	sld [smem:$0x3FFE];
	_ =	sdelay $0x1  }
0x2: {  	s1 =	srdreg.scid  }
0x3: {  	s0 =	sand.u32 $0x1, s1  }
0x4: {  	s18 =	sshll.u32 s0, $0xA;
	s2 =	sadd.s32 s3, s2  }
0x5: {  	s2 =	sadd.s32 s2, s18  }
0x6: {  	[smem:$0x3FC6] =	sst s2  }
0x7: {  	_ = 	snop  }
0x8: {  	s2 =	sld [smem:$0x3FD0];
	(tm) =	ssettm $0x1  }
0x9: {  	s19 =	sld [smem:$0x3FFB];
	_ =	sdelay $0x3  }
0xa: {  	_ =	strace s19  }
0xb: {  	s3 =	sld [smem:$0x3FFC];
	_ =	sdelay $0x3  }
0xc: {  	_ =	strace s3  }
0xd: {  	s3 =	sld [smem:$0x3FFD];
	_ =	sdelay $0x3  }
0xe: {  	_ =	strace s3  }
0xf: {  	_ =	strace $0x8FFFFFFF  }
0x10: {  	s20 =	sld [smem:$0x3FDB];
	_ =	sdelay $0x1  }
0x11: {  	s4 =	simm.s32 $_scs_section_size  }
0x12: {  	s5 =	simm.s32 $_size__tile_overlayer_lowered;
	s6 =	simm.s32 $_tile_overlayer_lowered  }
0x13: {  	s23 =	simm.s32 $0x1BFF;
	s22 =	sshll.u32 s6, $0x1;
	s3 =	sadd.s32 s4, s20  }
0x14: {  	s7 =	simm.s32 $0x0;
	s21 =	sshll.u32 s5, $0x1;
	s5 =	sadd.s32 s22, s3  }
0x15: {  	[timem:s7], [sflag:s23] =	dma.local [hbm:s5], s21  }
0x16: {  	_ =	swait.ge [sflag:s23], s21  }
0x17: {  	s4 =	ssub.s32 $0x0, s21;
	[sflag:s23] =	ssyncset.done $0x0  }
0x18: {  	[sflag:s23] =	ssyncadd.s32 s4;
	_ =	sdelay $0x1  }
0x19: {  	s24 =	simm.s32 $0x1B8B  }
0x1a: {  	_ =	swait.ge [sflag:s24], $0x1  }
0x1b: {  	[sflag:s24] =	ssyncset.done $0x0  }
0x1c: {  	s26 =	simm.s32 $0x1B8E;
	s25 =	sld [smem:$0x3FFE];
	[sflag:s24] =	ssyncadd.s32 $0xFFFFFFFF  }
0x1d: {  	s27 =	simm.s32 $execute0_lowered;
	[smem:$0x3FD2] =	sst s26  }
0x1e: {  	s5 =	sshll.u32 s27, $0x1;
	_ =	strace $0x80000049;
	[dreg:$0x1] =	wrdreg $0xFFFFFFFF  }
0x1f: {  	s28 =	simm.s32 $_size_execute0_lowered;
	s3 =	sadd.s32 s3, s5;
	[dreg:$0x0] =	wrdreg $0x0  }
0x20: {  	s5 =	sshll.u32 s28, $0x1;
	[dreg:$0x2] =	wrdreg s3  }
0x21: {  	[dreg:$0x3] =	wrdreg s5  }
0x22: {  	[dreg:$0x4] =	wrdreg $0xC0  }
0x23: {  	_ =	task [dreg:s7], $0x5FFFF  }
0x24: {  	[dreg:$0x1] =	wrdreg $0xFFFFFFFF  }
0x25: {  	[dreg:$0x0] =	wrdreg $0x60  }
0x26: {  	[dreg:$0x2] =	wrdreg s25  }
0x27: {  	[dreg:$0x3] =	wrdreg s2  }
0x28: {  	[dreg:$0x4] =	wrdreg $0x9  }
0x29: {  	_ =	task.clear_ibuf [dreg:s7], $0x5FFFF;
	_ =	strace $0x90000049  }
0x2a: {  	s29 =	simm.s32 $0x9;
	_ =	strace $0x8000004B  }
0x2b: {  	_ =	swait.ge [sflag:s29], $0x1  }
0x2c: {  	[sflag:s29] =	ssyncadd.s32 $0xFFFFFFFF  }
0x2d: {  	_ =	strace $0x9000004B  }
0x2e: {  	_ =	sfence  }
0x2f: {  	s30 =	sld [smem:$0x0];
	_ =	sdelay $0x2  }
0x30: {  	s31 =	sshll.u32 s1, $0xD;
	s1 =	sshrl.u32 s1, $0x2  }
0x31: {  	s3 =	sand.u32 $0x4000, s31;
	s1 =	sadd.s32 s1, s30  }
0x32: {  	s0 =	sor.u32 s3, s0;
	s1 =	sshll.u32 s1, $0x11  }
0x33: {  	s0 =	sor.u32 s1, s0  }
0x34: {  	s0 =	sadd.s32 $0x8F2B, s0  }
0x35: {  	[sflag:s0] =	ssyncadd.remote.s32 $0x1  }
0x36: {  	_ =	sfence.sel $0xFFFF  }
0x37: {  	[dreg:$0x0] =	wrdreg $0xFFFFFFFF;
	(pc) =	sbr.abs _section_cstart, $3  }
0x38: {  	[dreg:$0x1] =	wrdreg $0xFFFFFFFF  }
0x39: {  	_ =	task.clear_ibuf [dreg:s7], $0x2FFFF;
	_ =	strace $0x9FFFFFFF  }
0x3a: {  	(tm) =	ssettm $0x7FFFFFFF  }
0x3b: {  	_ =	shalt  }
tec
execute0_lowered:
.L_overlay_start_1:
0x0: {  	(tag) =	ssettag $0x1  }
0x1: {  	s1 =	rddreg [dreg:$0x0]  }
0x2: {  	s2 =	rddreg [dreg:$0x1]  }
0x3: {  	s0 =	rddreg [dreg:$0x2];
	s4 =	srdreg.scid  }
0x4: {  	_ =	strace $0x8000004A;
	s7 =	simm.s32 $0x2;
	s15 =	simm.s32 $0x0  }
0x5: {  	p0 =	por $0x0, $0x0;
	s13 =	simm.s32 $0x0;
	s16 =	simm.s32 $0x0  }
0x6: {  	s14 =	simm.s32 $0x0;
	s9 =	simm.s32 $0x0;
	s11 =	simm.s32 $0x0  }
.Ltmp0:
0x7: {  	s3 =	sadd.s32 $0x1B0800, s1;
	s4 =	sshll.u32 s4, $0x4;
	(pc) =	sbr.rel .LBB1_1-.Ltmp0, $4  }
0x8: {  	s1 =	stileid.u32;
	s5 =	sand.u32 $0x10, s4;
	s4 =	simm.s32 $0x1  }
0x9: {  	s8 =	simm.s32 $0x0;
	s6 =	sor.u32 s1, s5;
	[sflag:s4] =	ssyncpa.u1 $0x0  }
0xa: {  	s5 =	sand.u32 $0x3, s1;
	s6 =	sshrl.u32 s6, $0x2;
	[sflag:s7] =	ssyncpa.u1 $0x0  }
0xb: {  	s7 =	simm.s32 $0xC00;
	s12 =	smov.u32 s5;
	s10 =	smov.u32 s6  }
.LBB1_5:
0xc: {  	s17 =	sadd.s32 $0x80, s9  }
0xd: {  	s13 =	sadd.s32 $0x8, s10;
	s18 =	smov.u32 s10;
	p2 =	sgt.s32 s17, $0x17F  }
0xe: {  	s18 =	smov.u32 @p2 s13  }
0xf: {  	s19 =	smov.u32 s11;
	s13 =	sadd.s32 $0x80, s11;
	p3 =	sgt.s32 s18, $0x7  }
0x10: {  	s19 =	smov.u32 @p3 s13  }
0x11: {  	s20 =	smov.u32 s12;
	s13 =	sadd.s32 $0x4, s12;
	p4 =	sgt.s32 s19, $0x17F  }
0x12: {  	p1 =	slt.u32 s8, $0x2;
	s20 =	smov.u32 @p4 s13  }
0x13: {  	s8 =	sadd.s32 $0x1, s8;
	s17 =	simm.s32 @p2 $0x0;
	p2 =	sgt.s32 s20, $0x2F  }
0x14: {  	s15 =	smov.u32 s9;
	s20 =	smov.u32 @p2 s5;
	p2 =	sne.s32 s8, $0x6E  }
.Ltmp1:
0x15: {  	s16 =	smov.u32 s11;
	s21 =	simm.s32 @!p1 $0x2;
	(pc) =	sbr.rel @!p2 .LBB1_6-.Ltmp1, $4  }
0x16: {  	s14 =	smov.u32 s12;
	p0 =	por !p0, !p0;
	_ =	swait.ge @!p1 [sflag:s21], $0x4000  }
0x17: {  	[sflag:s21] =	ssyncset.done @!p1 $0x0;
	s9 =	smov.u32 s17;
	s18 =	smov.u32 @p3 s6  }
0x18: {  	[sflag:s21] =	ssyncadd.s32 @!p1 $0xFFFFC000;
	s19 =	simm.s32 @p4 $0x0;
	s13 =	smov.u32 s10  }
0x19: {  	s10 =	smov.u32 s18;
	s11 =	smov.u32 s19;
	s12 =	smov.u32 s20  }
.LBB1_1:
0x1a: {  	p1 =	sgt.u32 s8, $0x6B  }
0x1b: {  	s17 =	sshrl.u32 @!p1 s10, $0x3  }
0x1c: {  	s18 =	sshll.u32 @!p1 s9, $0x3;
	s17 =	smul.u32 @!p1 $0xC00, s17  }
0x1d: {  	s19 =	sshll.u32 @!p1 s10, $0x7;
	s18 =	sand.u32 @!p1 $0xFFFFFC00, s18  }
0x1e: {  	s17 =	sadd.s32 @!p1 s17, s18;
	s18 =	sand.u32 @!p1 $0x380, s19  }
0x1f: {  	s19 =	sand.u32 @!p1 $0x7F, s9;
	s17 =	sor.u32 @!p1 s18, s17  }
0x20: {  	s18 =	sor.u32 @!p1 s19, s17  }
0x21: {  	s19 =	smulhi.u32 @!p1 $0xAAAAAAAB, s18  }
0x22: {  	s17 =	smulhi.u32 @!p1 $0xAAAAAAAB, s17  }
0x23: {  	s21 =	smul.u32 @!p1 $0x24000, s12;
	s19 =	sshrl.u32 @!p1 s19, $0x8  }
0x24: {  	s20 =	sxor.u32 @!p1 $0xFFFFFFFF, s8;
	s17 =	sshrl.u32 @!p1 s17, $0x8;
	s19 =	smul.u32 @!p1 $0x180, s19  }
0x25: {  	s22 =	smul.u32 @!p1 $0x180, s11;
	s20 =	sshll.u32 @!p1 s20, $0xE;
	s17 =	sand.u32 @!p1 $0x7, s17  }
0x26: {  	s17 =	smul.u32 @!p1 $0x30, s17;
	s18 =	ssub.s32 @!p1 s18, s19;
	s19 =	sadd.s32 @!p1 s3, s21  }
0x27: {  	s20 =	sand.u32 @!p1 $0x4000, s20;
	s19 =	sadd.s32 @!p1 s22, s19;
	s21 =	sand.u32 @!p1 $0x7, s18  }
0x28: {  	s18 =	sshrl.u32 @!p1 s18, $0x3;
	s17 =	sadd.s32 @!p1 s17, s19;
	s19 =	sshll.u32 @!p1 s21, $0x12  }
0x29: {  	s17 =	sadd.s32 @!p1 s18, s17;
	s18 =	sor.u32 @!p1 $0x80, s19;
	s19 =	simm.s32 @!p1 $0xC00  }
0x2a: {  	[tilespmem:s20], [sflag:$0x1] =	stream.strided.gather @!p1 [hbm4b:s17+s18], $0x4000, s19, s18, $0x38;
	[tilespmem:$0x10000] =	vst v63  }
0x2b: {  	p1 =	seq.s32 s8, $0x0  }
0x2c: {  	p2 =	seq.s32 @!p1 s8, $0x6D  }
0x2d: {  	p1 =	por p1, p2  }
.Ltmp2:
0x2e: {  	_ = 	snop;
	(pc) =	sbr.rel @p1 .LBB1_5-.Ltmp2, $1  }
0x2f: {  	_ =	sdelay $0x3  }
0x30: {  	s17 =	simm.s32 $0x1  }
0x31: {  	s17 =	simm.s32 @!p0 $0x0  }
0x32: {  	s17 =	sshll.u32 s17, $0xE  }
0x33: {  	s18 =	sor.u32 $0x70, s17  }
0x34: {  	v1 =	vmov s18;
	_ =	sdelay $0x1  }
0x35: {  	_ =	swait.ge [sflag:s4], $0x4000  }
0x36: {  	[sflag:s4] =	ssyncset.done $0x0  }
0x37: {  	s19 =	simm.s32 $0x0;
	[sflag:s4] =	ssyncadd.s32 $0xFFFFC000  }
0x38: {  	s17 =	sor.u32 $0x8040, s17;
	v6 =	vld.idx.msk [tilespmem:v1+s19+$0x0 ss:$0x1], $0xffff  }
0x39: {  	v0 =	vmov s17;
	v8 =	vld.idx.msk [tilespmem:v1+s19+$0xFFFFFF90 ss:$0x1], $0xffff  }
0x3a: {  	v7 =	vld.idx.msk [tilespmem:v1+s19+$0xFFFFFFA0 ss:$0x1], $0xffff  }
0x3b: {  	v5 =	vld.idx.msk [tilespmem:v1+s19+$0xFFFFFFB0 ss:$0x1], $0xffff  }
0x3c: {  	v4 =	vld.idx.msk [tilespmem:v1+s19+$0xFFFFFFC0 ss:$0x1], $0xffff  }
0x3d: {  	s31 =	sshll.u32 s8, $0xE;
	v2 =	vld.idx.msk [tilespmem:v1+s19+$0xFFFFFFD0 ss:$0x1], $0xffff  }
0x3e: {  	s17 =	sand.u32 $0x4000, s31;
	v3 =	vld.idx.msk [tilespmem:v1+s19+$0xFFFFFFE0 ss:$0x1], $0xffff;
	[tilespmem:v0+s19+$0x30 ss:$0x1] =	vst.idx.msk $0xffff, v6  }
0x3f: {  	s20 =	simm.s32 $0x400;
	s18 =	simm.s32 $0x80;
	s17 =	sor.u32 $0x8000, s17;
	[tilespmem:v0+s19+$0xFFFFFFC0 ss:$0x1] =	vst.idx.msk $0xffff, v8;
	v6 =	vld.idx.msk [tilespmem:v1+s19+$0xFFFFFFF0 ss:$0x1], $0xffff  }
.LBB1_3:
0x40: {  	p1 =	sne.s32 s20, $0xFE00;
	v8 =	vld.idx.msk [tilespmem:v1+s18+$0x0 ss:$0x1], $0xffff;
	[tilespmem:v0+s19+$0xFFFFFFD0 ss:$0x1] =	vst.idx.msk $0xffff, v7  }
0x41: {  	v9 =	vld.idx.msk [tilespmem:v1+s18+$0xFFFFFF90 ss:$0x1], $0xffff;
	[tilespmem:v0+s19+$0xFFFFFFE0 ss:$0x1] =	vst.idx.msk $0xffff, v5  }
0x42: {  	v7 =	vld.idx.msk [tilespmem:v1+s18+$0xFFFFFFA0 ss:$0x1], $0xffff;
	[tilespmem:v0+s19+$0xFFFFFFF0 ss:$0x1] =	vst.idx.msk $0xffff, v4  }
.Ltmp3:
0x43: {  	v5 =	vld.idx.msk [tilespmem:v1+s18+$0xFFFFFFB0 ss:$0x1], $0xffff;
	[tilespmem:v0+s19+$0x0 ss:$0x1] =	vst.idx.msk $0xffff, v2;
	(pc) =	sbr.rel @p1 .LBB1_3-.Ltmp3, $4  }
0x44: {  	v4 =	vld.idx.msk [tilespmem:v1+s18+$0xFFFFFFC0 ss:$0x1], $0xffff;
	[tilespmem:v0+s19+$0x10 ss:$0x1] =	vst.idx.msk $0xffff, v3  }
0x45: {  	v2 =	vld.idx.msk [tilespmem:v1+s18+$0xFFFFFFD0 ss:$0x1], $0xffff;
	[tilespmem:v0+s19+$0x20 ss:$0x1] =	vst.idx.msk $0xffff, v6;
	s19 =	smov.u32 s18  }
0x46: {  	v3 =	vld.idx.msk [tilespmem:v1+s19+$0xFFFFFFE0 ss:$0x1], $0xffff;
	[tilespmem:v0+s19+$0x30 ss:$0x1] =	vst.idx.msk $0xffff, v8  }
0x47: {  	s18 =	sshra.s32 s20, $0x2;
	s20 =	sadd.s32 $0x200, s20;
	[tilespmem:v0+s19+$0xFFFFFFC0 ss:$0x1] =	vst.idx.msk $0xffff, v9;
	v6 =	vld.idx.msk [tilespmem:v1+s19+$0xFFFFFFF0 ss:$0x1], $0xffff  }
0x48: {  	s20 =	sshrl.u32 s16, $0x3  }
0x49: {  	s21 =	sshll.u32 s15, $0x3;
	s20 =	smul.u32 $0xC00, s20  }
0x4a: {  	s26 =	sshll.u32 s16, $0x7;
	s21 =	sand.u32 $0xFFFFFC00, s21  }
0x4b: {  	s16 =	sand.u32 $0x380, s26;
	s20 =	sadd.s32 s20, s21  }
0x4c: {  	[tilespmem:v0+s19+$0xFFFFFFD0 ss:$0x1] =	vst.idx.msk $0xffff, v7;
	s27 =	sand.u32 $0x7F, s15;
	s16 =	sor.u32 s16, s20  }
0x4d: {  	v56 =	vld.idx.msk [tilespmem:v1+s18+$0x0 ss:$0x1], $0xffff;
	[tilespmem:v0+s19+$0xFFFFFFE0 ss:$0x1] =	vst.idx.msk $0xffff, v5;
	s15 =	sor.u32 s27, s16;
	s16 =	smulhi.u32 $0xAAAAAAAB, s16  }
0x4e: {  	v57 =	vld.idx.msk [tilespmem:v1+s18+$0xFFFFFF90 ss:$0x1], $0xffff;
	[tilespmem:v0+s19+$0xFFFFFFF0 ss:$0x1] =	vst.idx.msk $0xffff, v4  }
0x4f: {  	v58 =	vld.idx.msk [tilespmem:v1+s18+$0xFFFFFFA0 ss:$0x1], $0xffff;
	s14 =	smul.u32 $0x24000, s14;
	[tilespmem:v0+s19+$0x0 ss:$0x1] =	vst.idx.msk $0xffff, v2;
	s16 =	sshrl.u32 s16, $0x8  }
0x50: {  	v59 =	vld.idx.msk [tilespmem:v1+s18+$0xFFFFFFB0 ss:$0x1], $0xffff;
	[tilespmem:v0+s19+$0x10 ss:$0x1] =	vst.idx.msk $0xffff, v3;
	s30 =	smulhi.u32 $0xAAAAAB, s16  }
0x51: {  	v60 =	vld.idx.msk [tilespmem:v1+s18+$0xFFFFFFC0 ss:$0x1], $0xffff;
	[tilespmem:v0+s19+$0x20 ss:$0x1] =	vst.idx.msk $0xffff, v6;
	s28 =	smulhi.u32 $0xAAAAAAAB, s15  }
0x52: {  	v61 =	vld.idx.msk [tilespmem:v1+s18+$0xFFFFFFD0 ss:$0x1], $0xffff;
	[tilespmem:v0+s18+$0x30 ss:$0x1] =	vst.idx.msk $0xffff, v56;
	s20 =	smul.u32 $0x180, s30  }
0x53: {  	v62 =	vld.idx.msk [tilespmem:v1+s18+$0xFFFFFFE0 ss:$0x1], $0xffff;
	s13 =	smul.u32 $0x4800, s13;
	[tilespmem:v0+s18+$0xFFFFFFC0 ss:$0x1] =	vst.idx.msk $0xffff, v57;
	s29 =	sshrl.u32 s28, $0x8  }
0x54: {  	v63 =	vld.idx.msk [tilespmem:v1+s18+$0xFFFFFFF0 ss:$0x1], $0xffff;
	[tilespmem:v0+s18+$0xFFFFFFD0 ss:$0x1] =	vst.idx.msk $0xffff, v58;
	s19 =	smul.u32 $0x180, s29;
	s16 =	ssub.s32 s16, s20  }
0x55: {  	[tilespmem:v0+s18+$0xFFFFFFE0 ss:$0x1] =	vst.idx.msk $0xffff, v59;
	s16 =	smul.u32 $0x30, s16  }
.Ltmp4:
0x56: {  	s14 =	sadd.s32 s2, s14;
	[tilespmem:v0+s18+$0xFFFFFFF0 ss:$0x1] =	vst.idx.msk $0xffff, v60;
	s15 =	ssub.s32 s15, s19;
	(pc) =	sbr.rel .LBB1_5-.Ltmp4, $4  }
0x57: {  	s13 =	sadd.s32 s13, s14;
	[tilespmem:v0+s18+$0x0 ss:$0x1] =	vst.idx.msk $0xffff, v61;
	s31 =	sand.u32 $0x7, s15  }
0x58: {  	[tilespmem:v0+s18+$0x10 ss:$0x1] =	vst.idx.msk $0xffff, v62;
	s15 =	sshrl.u32 s15, $0x3;
	s14 =	sshll.u32 s31, $0x12;
	s13 =	sadd.s32 s16, s13  }
0x59: {  	[tilespmem:v0+s18+$0x20 ss:$0x1] =	vst.idx.msk $0xffff, v63;
	s14 =	sor.u32 $0x400, s14;
	s13 =	sadd.s32 s15, s13  }
0x5a: {  	[hbm4b:s13+s14] =	stream.strided.scatter [tilespmem:s17], [sflag:$0x2], $0x4000, s7, s14, $0x38;
	[tilespmem:$0x10000] =	vst v63  }
.LBB1_6:
0x5b: {  	_ =	sfence.sel $0x180000  }
0x5c: {  	s2 =	simm.s32 $0x1;
	[bflag:$0x0] =	sbarrier.arrive $0xFFFF  }
0x5d: {  	s31 =	simm.s32 $0x2;
	[sflag:s2] =	ssyncpa.u1 $0x1  }
0x5e: {  	[sflag:s31] =	ssyncpa.u1 $0x1  }
0x5f: {  	p0 =	sne.s32 s1, $0x0;
	_ =	strace $0x9000004A  }
0x60: {  	s0 =	sadd.s32 @!p0 $0x100000, s0;
	[bflag:$0x2] =	sbarrier.arrive $0xFFFF  }
0x61: {  	[sflag:s0] =	ssyncadd.tile.s32 @!p0 $0x1;
	_ =	shalt  }
.Lfunc_end1:
_tile_overlayer_lowered:
.L_overlay_start_2:
0x62: {  	(tag) =	ssettag $0x2  }
0x63: {  	s0 =	rddreg [dreg:$0x0];
	s2 =	stileid.u32  }
0x64: {  	s1 =	rddreg [dreg:$0x1];
	p0 =	sne.s32 s2, $0x0  }
0x65: {  	s3 =	rddreg [dreg:$0x2];
	[bflag:$0x3] =	sbarrier.arrive $0xFFFF;
	s2 =	simm.s32 @!p0 $0x1C01  }
0x66: {  	[timem:s3], [sflag:s2] =	dma.local @!p0 [hbm:s0], s1  }
0x67: {  	s0 =	simm.s32 @!p0 $0x1  }
0x68: {  	_ =	swait.ge @!p0 [sflag:s0], s1  }
0x69: {  	s1 =	ssub.s32 @!p0 $0x0, s1;
	[sflag:s0] =	ssyncset.done @!p0 $0x0  }
0x6a: {  	[sflag:s0] =	ssyncadd.s32 @!p0 s1  }
0x6b: {  	[bflag:$0x3] =	sbarrier.arrive $0xFFFF  }
0x6c: {  	_ =	shalt  }

</sc_bundles>
